<compile_context>
chip_gen: v7x
topology: tpu7x:2x2x1
jax: 0.10.2.dev20260603
libtpu: 0.0.44.dev20260713+nightly
codegen_flags: <defaults>
</compile_context>

<pallas_src>
import jax
import jax.numpy as jnp
from jax import lax
from jax.experimental import pallas as pl
from jax.experimental.pallas import tpu as pltpu
from jax.experimental.pallas import tpu_sc as plsc

N_GENES_K = 20000
N_TFS_K = 2048
N_CONN_K = 65536
BATCH_K = 1024
_HALF_B = BATCH_K // 2

_NC = 2
_NS = 16
_NW = _NC * _NS
_EDGE_SPLIT = 4
_ROW_GROUPS = _NW // _EDGE_SPLIT
_PAIRS_PER_W = _HALF_B // _ROW_GROUPS
_EDGES_PER_W = N_CONN_K // _EDGE_SPLIT
_LANES = 16


def _sc_spmm_body(xpk_hbm, pk_hbm, ew_hbm, out_hbm, pk_v, ew_v,
                  xpa0, xpa1, xpb0, xpb1, a0, a1, a2, a3,
                  sem_xa, sem_xb, sem_o):
    c = lax.axis_index("c")
    s = lax.axis_index("s")
    wid = s * _NC + c
    q = wid // _ROW_GROUPS
    rgrp = wid % _ROW_GROUPS
    pbase = rgrp * _PAIRS_PER_W

    e0 = q * _EDGES_PER_W
    pltpu.sync_copy(pk_hbm.at[pl.ds(e0, _EDGES_PER_W)], pk_v)
    pltpu.sync_copy(ew_hbm.at[pl.ds(e0, _EDGES_PER_W)], ew_v)

    zeros16 = jnp.zeros((_LANES,), jnp.float32)
    himask = jnp.int32(-65536)

    def zero_acc(acc):
        @plsc.parallel_loop(0, N_TFS_K, step=_LANES, unroll=8)
        def zero_body(j):
            acc[pl.ds(j, _LANES)] = zeros16

    def accumulate_quad(xp0, xp1):
        @plsc.parallel_loop(0, _EDGES_PER_W, step=_LANES, unroll=8)
        def edge_body(e):
            pk = pk_v[pl.ds(e, _LANES)]
            g = lax.shift_right_logical(pk, 11)
            t = lax.bitwise_and(pk, 2047)
            w = ew_v[pl.ds(e, _LANES)]
            for xp, alo, ahi in ((xp0, a0, a1), (xp1, a2, a3)):
                v = plsc.load_gather(xp, [g])
                vlo = plsc.bitcast(lax.shift_left(v, 16), jnp.float32)
                vhi = plsc.bitcast(lax.bitwise_and(v, himask), jnp.float32)
                plsc.addupdate_scatter(alo, [t], vlo * w)
                plsc.addupdate_scatter(ahi, [t], vhi * w)

    def issue_outs(p0):
        pltpu.async_copy(a0, out_hbm.at[q, p0], sem_o)
        pltpu.async_copy(a1, out_hbm.at[q, p0 + _HALF_B], sem_o)
        pltpu.async_copy(a2, out_hbm.at[q, p0 + 1], sem_o)
        pltpu.async_copy(a3, out_hbm.at[q, p0 + 1 + _HALF_B], sem_o)

    def wait_outs(p0):
        pltpu.make_async_copy(a0, out_hbm.at[q, p0], sem_o).wait()
        pltpu.make_async_copy(a1, out_hbm.at[q, p0 + _HALF_B], sem_o).wait()
        pltpu.make_async_copy(a2, out_hbm.at[q, p0 + 1], sem_o).wait()
        pltpu.make_async_copy(a3, out_hbm.at[q, p0 + 1 + _HALF_B], sem_o).wait()

    pltpu.async_copy(xpk_hbm.at[pbase], xpa0, sem_xa)
    pltpu.async_copy(xpk_hbm.at[pbase + 1], xpa1, sem_xa)

    def step_body(i, carry):
        p0 = pbase + 2 * i
        even = lax.rem(i, 2) == 0
        @pl.when(i < _PAIRS_PER_W // 2 - 1)
        def _prefetch():
            @pl.when(even)
            def _pb():
                pltpu.async_copy(xpk_hbm.at[p0 + 2], xpb0, sem_xb)
                pltpu.async_copy(xpk_hbm.at[p0 + 3], xpb1, sem_xb)

            @pl.when(jnp.logical_not(even))
            def _pa():
                pltpu.async_copy(xpk_hbm.at[p0 + 2], xpa0, sem_xa)
                pltpu.async_copy(xpk_hbm.at[p0 + 3], xpa1, sem_xa)

        @pl.when(i > 0)
        def _drain():
            wait_outs(p0 - 2)

        zero_acc(a0)
        zero_acc(a1)
        zero_acc(a2)
        zero_acc(a3)

        @pl.when(even)
        def _runa():
            pltpu.make_async_copy(xpk_hbm.at[p0], xpa0, sem_xa).wait()
            pltpu.make_async_copy(xpk_hbm.at[p0 + 1], xpa1, sem_xa).wait()
            accumulate_quad(xpa0, xpa1)

        @pl.when(jnp.logical_not(even))
        def _runb():
            pltpu.make_async_copy(xpk_hbm.at[p0], xpb0, sem_xb).wait()
            pltpu.make_async_copy(xpk_hbm.at[p0 + 1], xpb1, sem_xb).wait()
            accumulate_quad(xpb0, xpb1)

        issue_outs(p0)
        return carry

    lax.fori_loop(0, _PAIRS_PER_W // 2, step_body, 0)
    wait_outs(pbase + _PAIRS_PER_W - 2)


@jax.jit
def _sc_spmm(xpk, packed, ew):
    mesh = plsc.VectorSubcoreMesh(core_axis_name="c", subcore_axis_name="s",
                                  num_cores=_NC, num_subcores=_NS)
    return pl.kernel(
        _sc_spmm_body,
        out_type=jax.ShapeDtypeStruct((_EDGE_SPLIT, BATCH_K, N_TFS_K),
                                      jnp.float32),
        mesh=mesh,
        scratch_types=[
            pltpu.VMEM((_EDGES_PER_W,), jnp.int32),
            pltpu.VMEM((_EDGES_PER_W,), jnp.float32),
            pltpu.VMEM((N_GENES_K,), jnp.int32),
            pltpu.VMEM((N_GENES_K,), jnp.int32),
            pltpu.VMEM((N_GENES_K,), jnp.int32),
            pltpu.VMEM((N_GENES_K,), jnp.int32),
            pltpu.VMEM((N_TFS_K,), jnp.float32),
            pltpu.VMEM((N_TFS_K,), jnp.float32),
            pltpu.VMEM((N_TFS_K,), jnp.float32),
            pltpu.VMEM((N_TFS_K,), jnp.float32),
            pltpu.SemaphoreType.DMA,
            pltpu.SemaphoreType.DMA,
            pltpu.SemaphoreType.DMA,
        ],
        compiler_params=pltpu.CompilerParams(needs_layout_passes=False),
    )(xpk, packed, ew)


def _prelu(h, a):
    return jnp.maximum(h, 0.0) + a * jnp.minimum(h, 0.0)


_BB = 256
_GB = 4096
_NB = BATCH_K // _BB
_NG = (N_GENES_K + _GB - 1) // _GB


def _mlp_body(p_ref, pe_ref, w1_ref, b1_ref, w2_ref, b2_ref, w3_ref, b3_ref,
              w4_ref, b4_ref, a_ref, out_ref, h_scr):
    j = pl.program_id(1)

    @pl.when(j == 0)
    def _encode():
        tf = (p_ref[0] + p_ref[1]) + (p_ref[2] + p_ref[3])
        a0 = a_ref[0, 0]
        a1 = a_ref[0, 1]
        a2 = a_ref[0, 2]
        a3 = a_ref[0, 3]
        h = _prelu(tf, a0)
        h = lax.dot_general(h.astype(jnp.bfloat16), w1_ref[...],
                            (((1,), (1,)), ((), ())),
                            preferred_element_type=jnp.float32) + b1_ref[...]
        h = _prelu(h, a1)
        h = lax.dot_general(h.astype(jnp.bfloat16), w2_ref[...],
                            (((1,), (1,)), ((), ())),
                            preferred_element_type=jnp.float32) + b2_ref[...]
        h = _prelu(h, a2)
        h = h + pe_ref[...]
        h = lax.dot_general(h.astype(jnp.bfloat16), w3_ref[...],
                            (((1,), (1,)), ((), ())),
                            preferred_element_type=jnp.float32) + b3_ref[...]
        h_scr[...] = _prelu(h, a3).astype(jnp.bfloat16)

    out_ref[...] = lax.dot_general(
        h_scr[...], w4_ref[...], (((1,), (1,)), ((), ())),
        preferred_element_type=jnp.float32) + b4_ref[...]


@jax.jit
def _tc_mlp(partials, pe, W1, b1, W2, b2, W3, b3, W4, b4, a_all):
    grid = (_NB, _NG)
    return pl.pallas_call(
        _mlp_body,
        grid=grid,
        in_specs=[
            pl.BlockSpec((_EDGE_SPLIT, _BB, N_TFS_K), lambda i, j: (0, i, 0)),
            pl.BlockSpec((_BB, 64), lambda i, j: (i, 0)),
            pl.BlockSpec((64, N_TFS_K), lambda i, j: (0, 0)),
            pl.BlockSpec((1, 64), lambda i, j: (0, 0)),
            pl.BlockSpec((64, 64), lambda i, j: (0, 0)),
            pl.BlockSpec((1, 64), lambda i, j: (0, 0)),
            pl.BlockSpec((64, 64), lambda i, j: (0, 0)),
            pl.BlockSpec((1, 64), lambda i, j: (0, 0)),
            pl.BlockSpec((_GB, 64), lambda i, j: (j, 0)),
            pl.BlockSpec((1, _GB), lambda i, j: (0, j)),
            pl.BlockSpec((1, 4), lambda i, j: (0, 0)),
        ],
        out_specs=pl.BlockSpec((_BB, _GB), lambda i, j: (i, j)),
        out_shape=jax.ShapeDtypeStruct((BATCH_K, N_GENES_K), jnp.float32),
        scratch_shapes=[pltpu.VMEM((_BB, 64), jnp.bfloat16)],
    )(partials, pe, W1, b1, W2, b2, W3, b3, W4, b4, a_all)


def kernel(x, pert, gene_indices, tf_indices, edge_weights, pert_table,
           W1, b1, W2, b2, W3, b3, W4, b4, a0, a1, a2, a3):
    packed = (gene_indices.astype(jnp.int32) << 11) | tf_indices.astype(jnp.int32)
    xlo = lax.bitcast_convert_type(x[:_HALF_B].astype(jnp.bfloat16),
                                   jnp.uint16).astype(jnp.uint32)
    xhi = lax.bitcast_convert_type(x[_HALF_B:].astype(jnp.bfloat16),
                                   jnp.uint16).astype(jnp.uint32)
    xpk = lax.bitcast_convert_type((xhi << 16) | xlo, jnp.int32)
    partials = _sc_spmm(xpk, packed, edge_weights)
    pe = jnp.take(pert_table, pert, axis=0)
    a_all = jnp.stack([a0[0], a1[0], a2[0], a3[0]]).reshape(1, 4)
    return _tc_mlp(partials, pe, W1.astype(jnp.bfloat16), b1.reshape(1, 64),
                   W2.astype(jnp.bfloat16), b2.reshape(1, 64),
                   W3.astype(jnp.bfloat16), b3.reshape(1, 64),
                   W4.astype(jnp.bfloat16), b4.reshape(1, 20000), a_all)

# --- scband reference (transcript-rebuilt; emitter-appended) ---
"""Pipeline reference for scband-model-24644522344786 (READ-ONLY COPY).

The authoritative reference and input builder live on the scoring server;
editing this copy changes nothing except your own understanding.
"""

import jax, jax.numpy as jnp
import numpy as np

N_GENES = 20000
N_TFS = 2048
N_CONN = 65536
N_HIDDEN = 64
N_PERT = 100
BATCH = 1024


def _linear_params(k, out_d, in_d):
    bound = 1.0 / np.sqrt(in_d)
    kw, kb = jax.random.split(k)
    W = jax.random.uniform(kw, (out_d, in_d), minval=-bound, maxval=bound, dtype=jnp.float32)
    b = jax.random.uniform(kb, (out_d,), minval=-bound, maxval=bound, dtype=jnp.float32)
    return W, b


def setup_inputs(seed: int = 0) -> dict:
    key = jax.random.key(seed)
    ks = jax.random.split(key, 16)
    inp = {}
    inp["x"] = jax.random.normal(ks[0], (BATCH, N_GENES), dtype=jnp.float32)
    inp["pert"] = jax.random.randint(ks[1], (BATCH,), 0, N_PERT)
    # GRN connections: [n_conn] source-gene indices and target-TF indices
    inp["gene_indices"] = jax.random.randint(ks[2], (N_CONN,), 0, N_GENES)
    inp["tf_indices"] = jax.random.randint(ks[3], (N_CONN,), 0, N_TFS)
    inp["edge_weights"] = jax.random.normal(ks[4], (N_CONN,), dtype=jnp.float32) * 0.1
    inp["pert_table"] = jax.random.normal(ks[5], (N_PERT, N_HIDDEN), dtype=jnp.float32)
    inp["W1"], inp["b1"] = _linear_params(ks[6], N_HIDDEN, N_TFS)
    inp["W2"], inp["b2"] = _linear_params(ks[7], N_HIDDEN, N_HIDDEN)
    inp["W3"], inp["b3"] = _linear_params(ks[8], N_HIDDEN, N_HIDDEN)
    inp["W4"], inp["b4"] = _linear_params(ks[9], N_GENES, N_HIDDEN)
    # PReLU(1) slope parameters (torch default init 0.25)
    inp["a0"] = jnp.full((1,), 0.25, dtype=jnp.float32)
    inp["a1"] = jnp.full((1,), 0.25, dtype=jnp.float32)
    inp["a2"] = jnp.full((1,), 0.25, dtype=jnp.float32)
    inp["a3"] = jnp.full((1,), 0.25, dtype=jnp.float32)
    return inp


def _prelu(h, a):
    return jnp.maximum(h, 0.0) + a * jnp.minimum(h, 0.0)


def reference(x, pert, gene_indices, tf_indices, edge_weights, pert_table,
              W1, b1, W2, b2, W3, b3, W4, b4, a0, a1, a2, a3):
    # SparseGRNLayer: gather gene values per connection, weight, scatter-add into TFs
    gene_vals = jnp.take(x, gene_indices, axis=1)            # [B, n_conn]
    weighted = gene_vals * edge_weights                       # [B, n_conn]
    tf_out = jnp.zeros((x.shape[0], N_TFS), dtype=x.dtype).at[:, tf_indices].add(weighted)
    # encoder: PReLU -> Linear(n_tfs, h) -> PReLU -> Linear(h, h) -> PReLU
    h = _prelu(tf_out, a0)
    h = h @ W1.T + b1
    h = _prelu(h, a1)
    h = h @ W2.T + b2
    h = _prelu(h, a2)
    # add perturbation embedding
    h = h + jnp.take(pert_table, pert, axis=0)
    # decoder: Linear(h, h) -> PReLU -> Linear(h, n_genes)
    h = h @ W3.T + b3
    h = _prelu(h, a3)
    out = h @ W4.T + b4
    return out

if __name__ == "__main__":
    import jax
    _d = setup_inputs()
    print(jax.jit(kernel)(*tuple(_d.values())))

</pallas_src>

<mosaic_0001>
#map = affine_map<(d0, d1) -> (0, 0)>
#map1 = affine_map<(d0, d1) -> (0)>
#map2 = affine_map<(d0, d1) -> (0, 0, 0)>
module attributes {stable_mosaic.version = 14 : i64} {
  func.func @_sc_spmm_body(%arg0: i32, %arg1: i32, %arg2: memref<512x20000xi32, #tpu.memory_space<hbm>>, %arg3: memref<65536xi32, #tpu.memory_space<hbm>>, %arg4: memref<65536xf32, #tpu.memory_space<hbm>>, %arg5: memref<4x1024x2048xf32, #tpu.memory_space<hbm>>, %arg6: memref<16384xi32, #tpu.memory_space<vmem>>, %arg7: memref<16384xf32, #tpu.memory_space<vmem>>, %arg8: memref<20000xi32, #tpu.memory_space<vmem>>, %arg9: memref<20000xi32, #tpu.memory_space<vmem>>, %arg10: memref<20000xi32, #tpu.memory_space<vmem>>, %arg11: memref<20000xi32, #tpu.memory_space<vmem>>, %arg12: memref<2048xf32, #tpu.memory_space<vmem>>, %arg13: memref<2048xf32, #tpu.memory_space<vmem>>, %arg14: memref<2048xf32, #tpu.memory_space<vmem>>, %arg15: memref<2048xf32, #tpu.memory_space<vmem>>, %arg16: memref<!tpu.dma_semaphore, #tpu.memory_space<semaphore_mem>>, %arg17: memref<!tpu.dma_semaphore, #tpu.memory_space<semaphore_mem>>, %arg18: memref<!tpu.dma_semaphore, #tpu.memory_space<semaphore_mem>>) attributes {dimension_semantics = [#tpu.dimension_semantics<core_parallel>, #tpu.dimension_semantics<subcore_parallel>], iteration_bounds = array<i64: 2, 16>, scalar_prefetch = 0 : i64, scratch_operands = 13 : i64, tpu.core_type = #tpu.core_type<sc_vector_subcore>, window_params = [{transform_indices = #map}, {transform_indices = #map1}, {transform_indices = #map1}, {transform_indices = #map2}]} {
    %mul3A = arith.constant 2 : i32
    %mul3A_0 = arith.muli %arg1, %mul3A : i32
    %add3A = arith.addi %mul3A_0, %arg0 : i32
    %jit3A = arith.constant 8 : i32
    %div3A = arith.divsi %add3A, %jit3A : i32
    %sign3A = arith.constant 0 : i32
    %sign3A_1 = arith.cmpi sgt, %add3A, %sign3A : i32
    %sign3A_2 = arith.extui %sign3A_1 : i1 to i32
    %sign3A_3 = arith.constant 0 : i32
    %sign3A_4 = arith.cmpi slt, %add3A, %sign3A_3 : i32
    %sign3A_5 = arith.extui %sign3A_4 : i1 to i32
    %sign3A_6 = arith.subi %sign3A_2, %sign3A_5 : i32
    %sign3A_7 = arith.constant 0 : i32
    %sign3A_8 = arith.cmpi sgt, %jit3A, %sign3A_7 : i32
    %sign3A_9 = arith.extui %sign3A_8 : i1 to i32
    %sign3A_10 = arith.constant 0 : i32
    %sign3A_11 = arith.cmpi slt, %jit3A, %sign3A_10 : i32
    %sign3A_12 = arith.extui %sign3A_11 : i1 to i32
    %sign3A_13 = arith.subi %sign3A_9, %sign3A_12 : i32
    %ne3A = arith.cmpi ne, %sign3A_6, %sign3A_13 : i32
    %rem3A = arith.remsi %add3A, %jit3A : i32
    %ne3A_14 = arith.constant 0 : i32
    %ne3A_15 = arith.cmpi ne, %rem3A, %ne3A_14 : i32
    %and3A = arith.andi %ne3A, %ne3A_15 : i1
    %sub3A = arith.constant 1 : i32
    %sub3A_16 = arith.subi %div3A, %sub3A : i32
    %select_n3A = arith.select %and3A, %sub3A_16, %div3A : i32
    %jit3A_17 = arith.constant 8 : i32
    %eq3A = arith.constant 0 : i32
    %eq3A_18 = arith.cmpi eq, %jit3A_17, %eq3A : i32
    %jit3A_19 = arith.constant 1 : i32
    %select_n3A_20 = arith.select %eq3A_18, %jit3A_19, %jit3A_17 : i32
    %rem3A_21 = arith.remsi %add3A, %select_n3A_20 : i32
    %ne3A_22 = arith.constant 0 : i32
    %ne3A_23 = arith.cmpi ne, %rem3A_21, %ne3A_22 : i32
    %lt3A = arith.constant 0 : i32
    %lt3A_24 = arith.cmpi slt, %rem3A_21, %lt3A : i32
    %lt3A_25 = arith.constant 0 : i32
    %lt3A_26 = arith.cmpi slt, %select_n3A_20, %lt3A_25 : i32
    %ne3A_27 = arith.xori %lt3A_24, %lt3A_26 : i1
    %and3A_28 = arith.andi %ne3A_27, %ne3A_23 : i1
    %add3A_29 = arith.addi %rem3A_21, %select_n3A_20 : i32
    %select_n3A_30 = arith.select %and3A_28, %add3A_29, %rem3A_21 : i32
    %mul3A_31 = arith.constant 64 : i32
    %mul3A_32 = arith.muli %select_n3A_30, %mul3A_31 : i32
    %mul3A_33 = arith.constant 16384 : i32
    %mul3A_34 = arith.muli %select_n3A, %mul3A_33 : i32
    "tpu.region"() ({
      %run_scoped3A = tpu.sem_alloc : memref<!tpu.dma_semaphore, #tpu.memory_space<semaphore_mem>>
      %dma_start3A_90 = tpu.memref_slice %arg3[%mul3A_34] : memref<65536xi32, #tpu.memory_space<hbm>> -> memref<16384xi32, #tpu.memory_space<hbm>>
      %dma_start3A_91 = tpu.memref_slice %arg3[%mul3A_34] : memref<65536xi32, #tpu.memory_space<hbm>> -> memref<16384xi32, #tpu.memory_space<hbm>>
      tpu.enqueue_dma source(%dma_start3A_91 : memref<16384xi32, #tpu.memory_space<hbm>>) target(%arg6 : memref<16384xi32, #tpu.memory_space<vmem>>) target_semaphore(%run_scoped3A : memref<!tpu.dma_semaphore, #tpu.memory_space<semaphore_mem>>)
      %dma_wait3A_92 = tpu.memref_slice %arg3[%mul3A_34] : memref<65536xi32, #tpu.memory_space<hbm>> -> memref<16384xi32, #tpu.memory_space<hbm>>
      %dma_wait3A_93 = tpu.memref_slice %arg3[%mul3A_34] : memref<65536xi32, #tpu.memory_space<hbm>> -> memref<16384xi32, #tpu.memory_space<hbm>>
      tpu.wait_dma2 semaphore(%run_scoped3A : memref<!tpu.dma_semaphore, #tpu.memory_space<semaphore_mem>>) src(%dma_wait3A_93 : memref<16384xi32, #tpu.memory_space<hbm>>) dst(%arg6 : memref<16384xi32, #tpu.memory_space<vmem>>)
      tpu.yield
    }) : () -> ()
    "tpu.region"() ({
      %run_scoped3A = tpu.sem_alloc : memref<!tpu.dma_semaphore, #tpu.memory_space<semaphore_mem>>
      %dma_start3A_90 = tpu.memref_slice %arg4[%mul3A_34] : memref<65536xf32, #tpu.memory_space<hbm>> -> memref<16384xf32, #tpu.memory_space<hbm>>
      %dma_start3A_91 = tpu.memref_slice %arg4[%mul3A_34] : memref<65536xf32, #tpu.memory_space<hbm>> -> memref<16384xf32, #tpu.memory_space<hbm>>
      tpu.enqueue_dma source(%dma_start3A_91 : memref<16384xf32, #tpu.memory_space<hbm>>) target(%arg7 : memref<16384xf32, #tpu.memory_space<vmem>>) target_semaphore(%run_scoped3A : memref<!tpu.dma_semaphore, #tpu.memory_space<semaphore_mem>>)
      %dma_wait3A_92 = tpu.memref_slice %arg4[%mul3A_34] : memref<65536xf32, #tpu.memory_space<hbm>> -> memref<16384xf32, #tpu.memory_space<hbm>>
      %dma_wait3A_93 = tpu.memref_slice %arg4[%mul3A_34] : memref<65536xf32, #tpu.memory_space<hbm>> -> memref<16384xf32, #tpu.memory_space<hbm>>
      tpu.wait_dma2 semaphore(%run_scoped3A : memref<!tpu.dma_semaphore, #tpu.memory_space<semaphore_mem>>) src(%dma_wait3A_93 : memref<16384xf32, #tpu.memory_space<hbm>>) dst(%arg7 : memref<16384xf32, #tpu.memory_space<vmem>>)
      tpu.yield
    }) : () -> ()
    %broadcast_in_dim3A = arith.constant 0.000000e+00 : f32
    %broadcast_in_dim3A_35 = vector.broadcast %broadcast_in_dim3A : f32 to vector<16xf32>
    %dma_start3A = arith.constant 0 : i32
    %dma_start3A_36 = tpu.memref_slice %arg2[%mul3A_32, %dma_start3A] : memref<512x20000xi32, #tpu.memory_space<hbm>> -> memref<1x20000xi32, #tpu.memory_space<hbm>>
    %dma_start3A_37 = tpu.memref_squeeze %dma_start3A_36 : memref<1x20000xi32, #tpu.memory_space<hbm>> -> memref<20000xi32, #tpu.memory_space<hbm>>
    %dma_start3A_38 = arith.constant 0 : i32
    %dma_start3A_39 = tpu.memref_slice %arg2[%mul3A_32, %dma_start3A_38] : memref<512x20000xi32, #tpu.memory_space<hbm>> -> memref<1x20000xi32, #tpu.memory_space<hbm>>
    %dma_start3A_40 = tpu.memref_squeeze %dma_start3A_39 : memref<1x20000xi32, #tpu.memory_space<hbm>> -> memref<20000xi32, #tpu.memory_space<hbm>>
    tpu.enqueue_dma source(%dma_start3A_40 : memref<20000xi32, #tpu.memory_space<hbm>>) target(%arg8 : memref<20000xi32, #tpu.memory_space<vmem>>) target_semaphore(%arg16 : memref<!tpu.dma_semaphore, #tpu.memory_space<semaphore_mem>>)
    %add3A_41 = arith.constant 1 : i32
    %add3A_42 = arith.addi %mul3A_32, %add3A_41 : i32
    %dma_start3A_43 = arith.constant 0 : i32
    %dma_start3A_44 = tpu.memref_slice %arg2[%add3A_42, %dma_start3A_43] : memref<512x20000xi32, #tpu.memory_space<hbm>> -> memref<1x20000xi32, #tpu.memory_space<hbm>>
    %dma_start3A_45 = tpu.memref_squeeze %dma_start3A_44 : memref<1x20000xi32, #tpu.memory_space<hbm>> -> memref<20000xi32, #tpu.memory_space<hbm>>
    %dma_start3A_46 = arith.constant 0 : i32
    %dma_start3A_47 = tpu.memref_slice %arg2[%add3A_42, %dma_start3A_46] : memref<512x20000xi32, #tpu.memory_space<hbm>> -> memref<1x20000xi32, #tpu.memory_space<hbm>>
    %dma_start3A_48 = tpu.memref_squeeze %dma_start3A_47 : memref<1x20000xi32, #tpu.memory_space<hbm>> -> memref<20000xi32, #tpu.memory_space<hbm>>
    tpu.enqueue_dma source(%dma_start3A_48 : memref<20000xi32, #tpu.memory_space<hbm>>) target(%arg9 : memref<20000xi32, #tpu.memory_space<vmem>>) target_semaphore(%arg16 : memref<!tpu.dma_semaphore, #tpu.memory_space<semaphore_mem>>)
    %scan3A = arith.constant 0 : i32
    %scan3A_49 = arith.constant -65536 : i32
    %scan3A_50 = arith.constant 0 : i32
    %scan3A_51 = arith.constant 32 : i32
    %scan3A_52 = arith.addi %scan3A_50, %scan3A_51 : i32
    %scan3A_53 = arith.constant 1 : i32
    scf.for %scan3A_90 = %scan3A_50 to %scan3A_52 step %scan3A_53  : i32 {
      %mul3A_91 = arith.constant 2 : i32
      %mul3A_92 = arith.muli %mul3A_91, %scan3A_90 : i32
      %add3A_93 = arith.addi %mul3A_32, %mul3A_92 : i32
      %rem3A_94 = arith.constant 2 : i32
      %rem3A_95 = arith.remsi %scan3A_90, %rem3A_94 : i32
      %eq3A_96 = arith.constant 0 : i32
      %eq3A_97 = arith.cmpi eq, %rem3A_95, %eq3A_96 : i32
      %lt3A_98 = arith.constant 31 : i32
      %lt3A_99 = arith.cmpi slt, %scan3A_90, %lt3A_98 : i32
      %convert_element_type3A = arith.extui %lt3A_99 : i1 to i32
      %cond3A = arith.constant 0 : i32
      %cond3A_100 = arith.cmpi ne, %convert_element_type3A, %cond3A : i32
      scf.if %cond3A_100 {
        %convert_element_type3A_155 = arith.extui %eq3A_97 : i1 to i32
        %cond3A_156 = arith.constant 0 : i32
        %cond3A_157 = arith.cmpi ne, %convert_element_type3A_155, %cond3A_156 : i32
        scf.if %cond3A_157 {
          %add3A_163 = arith.constant 2 : i32
          %add3A_164 = arith.addi %add3A_93, %add3A_163 : i32
          %dma_start3A_165 = arith.constant 0 : i32
          %dma_start3A_166 = tpu.memref_slice %arg2[%add3A_164, %dma_start3A_165] : memref<512x20000xi32, #tpu.memory_space<hbm>> -> memref<1x20000xi32, #tpu.memory_space<hbm>>
          %dma_start3A_167 = tpu.memref_squeeze %dma_start3A_166 : memref<1x20000xi32, #tpu.memory_space<hbm>> -> memref<20000xi32, #tpu.memory_space<hbm>>
          %dma_start3A_168 = arith.constant 0 : i32
          %dma_start3A_169 = tpu.memref_slice %arg2[%add3A_164, %dma_start3A_168] : memref<512x20000xi32, #tpu.memory_space<hbm>> -> memref<1x20000xi32, #tpu.memory_space<hbm>>
          %dma_start3A_170 = tpu.memref_squeeze %dma_start3A_169 : memref<1x20000xi32, #tpu.memory_space<hbm>> -> memref<20000xi32, #tpu.memory_space<hbm>>
          tpu.enqueue_dma source(%dma_start3A_170 : memref<20000xi32, #tpu.memory_space<hbm>>) target(%arg10 : memref<20000xi32, #tpu.memory_space<vmem>>) target_semaphore(%arg17 : memref<!tpu.dma_semaphore, #tpu.memory_space<semaphore_mem>>)
          %add3A_171 = arith.constant 3 : i32
          %add3A_172 = arith.addi %add3A_93, %add3A_171 : i32
          %dma_start3A_173 = arith.constant 0 : i32
          %dma_start3A_174 = tpu.memref_slice %arg2[%add3A_172, %dma_start3A_173] : memref<512x20000xi32, #tpu.memory_space<hbm>> -> memref<1x20000xi32, #tpu.memory_space<hbm>>
          %dma_start3A_175 = tpu.memref_squeeze %dma_start3A_174 : memref<1x20000xi32, #tpu.memory_space<hbm>> -> memref<20000xi32, #tpu.memory_space<hbm>>
          %dma_start3A_176 = arith.constant 0 : i32
          %dma_start3A_177 = tpu.memref_slice %arg2[%add3A_172, %dma_start3A_176] : memref<512x20000xi32, #tpu.memory_space<hbm>> -> memref<1x20000xi32, #tpu.memory_space<hbm>>
          %dma_start3A_178 = tpu.memref_squeeze %dma_start3A_177 : memref<1x20000xi32, #tpu.memory_space<hbm>> -> memref<20000xi32, #tpu.memory_space<hbm>>
          tpu.enqueue_dma source(%dma_start3A_178 : memref<20000xi32, #tpu.memory_space<hbm>>) target(%arg11 : memref<20000xi32, #tpu.memory_space<vmem>>) target_semaphore(%arg17 : memref<!tpu.dma_semaphore, #tpu.memory_space<semaphore_mem>>)
        } else {
        }
        %not3A_158 = arith.constant true
        %not3A_159 = arith.xori %eq3A_97, %not3A_158 : i1
        %convert_element_type3A_160 = arith.extui %not3A_159 : i1 to i32
        %cond3A_161 = arith.constant 0 : i32
        %cond3A_162 = arith.cmpi ne, %convert_element_type3A_160, %cond3A_161 : i32
        scf.if %cond3A_162 {
          %add3A_163 = arith.constant 2 : i32
          %add3A_164 = arith.addi %add3A_93, %add3A_163 : i32
          %dma_start3A_165 = arith.constant 0 : i32
          %dma_start3A_166 = tpu.memref_slice %arg2[%add3A_164, %dma_start3A_165] : memref<512x20000xi32, #tpu.memory_space<hbm>> -> memref<1x20000xi32, #tpu.memory_space<hbm>>
          %dma_start3A_167 = tpu.memref_squeeze %dma_start3A_166 : memref<1x20000xi32, #tpu.memory_space<hbm>> -> memref<20000xi32, #tpu.memory_space<hbm>>
          %dma_start3A_168 = arith.constant 0 : i32
          %dma_start3A_169 = tpu.memref_slice %arg2[%add3A_164, %dma_start3A_168] : memref<512x20000xi32, #tpu.memory_space<hbm>> -> memref<1x20000xi32, #tpu.memory_space<hbm>>
          %dma_start3A_170 = tpu.memref_squeeze %dma_start3A_169 : memref<1x20000xi32, #tpu.memory_space<hbm>> -> memref<20000xi32, #tpu.memory_space<hbm>>
          tpu.enqueue_dma source(%dma_start3A_170 : memref<20000xi32, #tpu.memory_space<hbm>>) target(%arg8 : memref<20000xi32, #tpu.memory_space<vmem>>) target_semaphore(%arg16 : memref<!tpu.dma_semaphore, #tpu.memory_space<semaphore_mem>>)
          %add3A_171 = arith.constant 3 : i32
          %add3A_172 = arith.addi %add3A_93, %add3A_171 : i32
          %dma_start3A_173 = arith.constant 0 : i32
          %dma_start3A_174 = tpu.memref_slice %arg2[%add3A_172, %dma_start3A_173] : memref<512x20000xi32, #tpu.memory_space<hbm>> -> memref<1x20000xi32, #tpu.memory_space<hbm>>
          %dma_start3A_175 = tpu.memref_squeeze %dma_start3A_174 : memref<1x20000xi32, #tpu.memory_space<hbm>> -> memref<20000xi32, #tpu.memory_space<hbm>>
          %dma_start3A_176 = arith.constant 0 : i32
          %dma_start3A_177 = tpu.memref_slice %arg2[%add3A_172, %dma_start3A_176] : memref<512x20000xi32, #tpu.memory_space<hbm>> -> memref<1x20000xi32, #tpu.memory_space<hbm>>
          %dma_start3A_178 = tpu.memref_squeeze %dma_start3A_177 : memref<1x20000xi32, #tpu.memory_space<hbm>> -> memref<20000xi32, #tpu.memory_space<hbm>>
          tpu.enqueue_dma source(%dma_start3A_178 : memref<20000xi32, #tpu.memory_space<hbm>>) target(%arg9 : memref<20000xi32, #tpu.memory_space<vmem>>) target_semaphore(%arg16 : memref<!tpu.dma_semaphore, #tpu.memory_space<semaphore_mem>>)
        } else {
        }
      } else {
      }
      %gt3A = arith.constant 0 : i32
      %gt3A_101 = arith.cmpi sgt, %scan3A_90, %gt3A : i32
      %convert_element_type3A_102 = arith.extui %gt3A_101 : i1 to i32
      %cond3A_103 = arith.constant 0 : i32
      %cond3A_104 = arith.cmpi ne, %convert_element_type3A_102, %cond3A_103 : i32
      scf.if %cond3A_104 {
        %sub3A_155 = arith.constant 2 : i32
        %sub3A_156 = arith.subi %add3A_93, %sub3A_155 : i32
        %dma_wait3A_157 = arith.constant 0 : i32
        %dma_wait3A_158 = tpu.memref_slice %arg5[%select_n3A, %sub3A_156, %dma_wait3A_157] : memref<4x1024x2048xf32, #tpu.memory_space<hbm>> -> memref<1x1x2048xf32, #tpu.memory_space<hbm>>
        %dma_wait3A_159 = tpu.memref_squeeze %dma_wait3A_158 : memref<1x1x2048xf32, #tpu.memory_space<hbm>> -> memref<2048xf32, #tpu.memory_space<hbm>>
        %dma_wait3A_160 = arith.constant 0 : i32
        %dma_wait3A_161 = tpu.memref_slice %arg5[%select_n3A, %sub3A_156, %dma_wait3A_160] : memref<4x1024x2048xf32, #tpu.memory_space<hbm>> -> memref<1x1x2048xf32, #tpu.memory_space<hbm>>
        %dma_wait3A_162 = tpu.memref_squeeze %dma_wait3A_161 : memref<1x1x2048xf32, #tpu.memory_space<hbm>> -> memref<2048xf32, #tpu.memory_space<hbm>>
        tpu.wait_dma2 semaphore(%arg18 : memref<!tpu.dma_semaphore, #tpu.memory_space<semaphore_mem>>) src(%arg12 : memref<2048xf32, #tpu.memory_space<vmem>>) dst(%dma_wait3A_162 : memref<2048xf32, #tpu.memory_space<hbm>>)
        %add3A_163 = arith.constant 512 : i32
        %add3A_164 = arith.addi %sub3A_156, %add3A_163 : i32
        %dma_wait3A_165 = arith.constant 0 : i32
        %dma_wait3A_166 = tpu.memref_slice %arg5[%select_n3A, %add3A_164, %dma_wait3A_165] : memref<4x1024x2048xf32, #tpu.memory_space<hbm>> -> memref<1x1x2048xf32, #tpu.memory_space<hbm>>
        %dma_wait3A_167 = tpu.memref_squeeze %dma_wait3A_166 : memref<1x1x2048xf32, #tpu.memory_space<hbm>> -> memref<2048xf32, #tpu.memory_space<hbm>>
        %dma_wait3A_168 = arith.constant 0 : i32
        %dma_wait3A_169 = tpu.memref_slice %arg5[%select_n3A, %add3A_164, %dma_wait3A_168] : memref<4x1024x2048xf32, #tpu.memory_space<hbm>> -> memref<1x1x2048xf32, #tpu.memory_space<hbm>>
        %dma_wait3A_170 = tpu.memref_squeeze %dma_wait3A_169 : memref<1x1x2048xf32, #tpu.memory_space<hbm>> -> memref<2048xf32, #tpu.memory_space<hbm>>
        tpu.wait_dma2 semaphore(%arg18 : memref<!tpu.dma_semaphore, #tpu.memory_space<semaphore_mem>>) src(%arg13 : memref<2048xf32, #tpu.memory_space<vmem>>) dst(%dma_wait3A_170 : memref<2048xf32, #tpu.memory_space<hbm>>)
        %add3A_171 = arith.constant 1 : i32
        %add3A_172 = arith.addi %sub3A_156, %add3A_171 : i32
        %dma_wait3A_173 = arith.constant 0 : i32
        %dma_wait3A_174 = tpu.memref_slice %arg5[%select_n3A, %add3A_172, %dma_wait3A_173] : memref<4x1024x2048xf32, #tpu.memory_space<hbm>> -> memref<1x1x2048xf32, #tpu.memory_space<hbm>>
        %dma_wait3A_175 = tpu.memref_squeeze %dma_wait3A_174 : memref<1x1x2048xf32, #tpu.memory_space<hbm>> -> memref<2048xf32, #tpu.memory_space<hbm>>
        %dma_wait3A_176 = arith.constant 0 : i32
        %dma_wait3A_177 = tpu.memref_slice %arg5[%select_n3A, %add3A_172, %dma_wait3A_176] : memref<4x1024x2048xf32, #tpu.memory_space<hbm>> -> memref<1x1x2048xf32, #tpu.memory_space<hbm>>
        %dma_wait3A_178 = tpu.memref_squeeze %dma_wait3A_177 : memref<1x1x2048xf32, #tpu.memory_space<hbm>> -> memref<2048xf32, #tpu.memory_space<hbm>>
        tpu.wait_dma2 semaphore(%arg18 : memref<!tpu.dma_semaphore, #tpu.memory_space<semaphore_mem>>) src(%arg14 : memref<2048xf32, #tpu.memory_space<vmem>>) dst(%dma_wait3A_178 : memref<2048xf32, #tpu.memory_space<hbm>>)
        %add3A_179 = arith.constant 1 : i32
        %add3A_180 = arith.addi %sub3A_156, %add3A_179 : i32
        %add3A_181 = arith.constant 512 : i32
        %add3A_182 = arith.addi %add3A_180, %add3A_181 : i32
        %dma_wait3A_183 = arith.constant 0 : i32
        %dma_wait3A_184 = tpu.memref_slice %arg5[%select_n3A, %add3A_182, %dma_wait3A_183] : memref<4x1024x2048xf32, #tpu.memory_space<hbm>> -> memref<1x1x2048xf32, #tpu.memory_space<hbm>>
        %dma_wait3A_185 = tpu.memref_squeeze %dma_wait3A_184 : memref<1x1x2048xf32, #tpu.memory_space<hbm>> -> memref<2048xf32, #tpu.memory_space<hbm>>
        %dma_wait3A_186 = arith.constant 0 : i32
        %dma_wait3A_187 = tpu.memref_slice %arg5[%select_n3A, %add3A_182, %dma_wait3A_186] : memref<4x1024x2048xf32, #tpu.memory_space<hbm>> -> memref<1x1x2048xf32, #tpu.memory_space<hbm>>
        %dma_wait3A_188 = tpu.memref_squeeze %dma_wait3A_187 : memref<1x1x2048xf32, #tpu.memory_space<hbm>> -> memref<2048xf32, #tpu.memory_space<hbm>>
        tpu.wait_dma2 semaphore(%arg18 : memref<!tpu.dma_semaphore, #tpu.memory_space<semaphore_mem>>) src(%arg15 : memref<2048xf32, #tpu.memory_space<vmem>>) dst(%dma_wait3A_188 : memref<2048xf32, #tpu.memory_space<hbm>>)
      } else {
      }
      %parallel_loop3A = arith.constant 0 : i32
      %parallel_loop3A_105 = arith.constant 2048 : i32
      %parallel_loop3A_106 = arith.constant 16 : i32
      scf.for %parallel_loop3A_155 = %parallel_loop3A to %parallel_loop3A_105 step %parallel_loop3A_106  : i32 {
        %parallel_loop3A_156 = arith.index_cast %parallel_loop3A_155 : i32 to index
        %parallel_loop3A_157 = tpu.vector_load %arg12[%parallel_loop3A_156] {strides = array<i32>} : memref<2048xf32, #tpu.memory_space<vmem>>, vector<16xf32>,
        tpu.vector_store %arg12[%parallel_loop3A_156], %broadcast_in_dim3A_35 {strides = array<i32>} : memref<2048xf32, #tpu.memory_space<vmem>>, vector<16xf32>,
      } {sc.loop_unroll_factor = 8 : i64, sc.parallel_access}
      %parallel_loop3A_107 = arith.constant 0 : i32
      %parallel_loop3A_108 = arith.constant 2048 : i32
      %parallel_loop3A_109 = arith.constant 16 : i32
      scf.for %parallel_loop3A_155 = %parallel_loop3A_107 to %parallel_loop3A_108 step %parallel_loop3A_109  : i32 {
        %parallel_loop3A_156 = arith.index_cast %parallel_loop3A_155 : i32 to index
        %parallel_loop3A_157 = tpu.vector_load %arg13[%parallel_loop3A_156] {strides = array<i32>} : memref<2048xf32, #tpu.memory_space<vmem>>, vector<16xf32>,
        tpu.vector_store %arg13[%parallel_loop3A_156], %broadcast_in_dim3A_35 {strides = array<i32>} : memref<2048xf32, #tpu.memory_space<vmem>>, vector<16xf32>,
      } {sc.loop_unroll_factor = 8 : i64, sc.parallel_access}
      %parallel_loop3A_110 = arith.constant 0 : i32
      %parallel_loop3A_111 = arith.constant 2048 : i32
      %parallel_loop3A_112 = arith.constant 16 : i32
      scf.for %parallel_loop3A_155 = %parallel_loop3A_110 to %parallel_loop3A_111 step %parallel_loop3A_112  : i32 {
        %parallel_loop3A_156 = arith.index_cast %parallel_loop3A_155 : i32 to index
        %parallel_loop3A_157 = tpu.vector_load %arg14[%parallel_loop3A_156] {strides = array<i32>} : memref<2048xf32, #tpu.memory_space<vmem>>, vector<16xf32>,
        tpu.vector_store %arg14[%parallel_loop3A_156], %broadcast_in_dim3A_35 {strides = array<i32>} : memref<2048xf32, #tpu.memory_space<vmem>>, vector<16xf32>,
      } {sc.loop_unroll_factor = 8 : i64, sc.parallel_access}
      %parallel_loop3A_113 = arith.constant 0 : i32
      %parallel_loop3A_114 = arith.constant 2048 : i32
      %parallel_loop3A_115 = arith.constant 16 : i32
      scf.for %parallel_loop3A_155 = %parallel_loop3A_113 to %parallel_loop3A_114 step %parallel_loop3A_115  : i32 {
        %parallel_loop3A_156 = arith.index_cast %parallel_loop3A_155 : i32 to index
        %parallel_loop3A_157 = tpu.vector_load %arg15[%parallel_loop3A_156] {strides = array<i32>} : memref<2048xf32, #tpu.memory_space<vmem>>, vector<16xf32>,
        tpu.vector_store %arg15[%parallel_loop3A_156], %broadcast_in_dim3A_35 {strides = array<i32>} : memref<2048xf32, #tpu.memory_space<vmem>>, vector<16xf32>,
      } {sc.loop_unroll_factor = 8 : i64, sc.parallel_access}
      %convert_element_type3A_116 = arith.extui %eq3A_97 : i1 to i32
      %cond3A_117 = arith.constant 0 : i32
      %cond3A_118 = arith.cmpi ne, %convert_element_type3A_116, %cond3A_117 : i32
      scf.if %cond3A_118 {
        %dma_wait3A_155 = arith.constant 0 : i32
        %dma_wait3A_156 = tpu.memref_slice %arg2[%add3A_93, %dma_wait3A_155] : memref<512x20000xi32, #tpu.memory_space<hbm>> -> memref<1x20000xi32, #tpu.memory_space<hbm>>
        %dma_wait3A_157 = tpu.memref_squeeze %dma_wait3A_156 : memref<1x20000xi32, #tpu.memory_space<hbm>> -> memref<20000xi32, #tpu.memory_space<hbm>>
        %dma_wait3A_158 = arith.constant 0 : i32
        %dma_wait3A_159 = tpu.memref_slice %arg2[%add3A_93, %dma_wait3A_158] : memref<512x20000xi32, #tpu.memory_space<hbm>> -> memref<1x20000xi32, #tpu.memory_space<hbm>>
        %dma_wait3A_160 = tpu.memref_squeeze %dma_wait3A_159 : memref<1x20000xi32, #tpu.memory_space<hbm>> -> memref<20000xi32, #tpu.memory_space<hbm>>
        tpu.wait_dma2 semaphore(%arg16 : memref<!tpu.dma_semaphore, #tpu.memory_space<semaphore_mem>>) src(%dma_wait3A_160 : memref<20000xi32, #tpu.memory_space<hbm>>) dst(%arg8 : memref<20000xi32, #tpu.memory_space<vmem>>)
        %add3A_161 = arith.constant 1 : i32
        %add3A_162 = arith.addi %add3A_93, %add3A_161 : i32
        %dma_wait3A_163 = arith.constant 0 : i32
        %dma_wait3A_164 = tpu.memref_slice %arg2[%add3A_162, %dma_wait3A_163] : memref<512x20000xi32, #tpu.memory_space<hbm>> -> memref<1x20000xi32, #tpu.memory_space<hbm>>
        %dma_wait3A_165 = tpu.memref_squeeze %dma_wait3A_164 : memref<1x20000xi32, #tpu.memory_space<hbm>> -> memref<20000xi32, #tpu.memory_space<hbm>>
        %dma_wait3A_166 = arith.constant 0 : i32
        %dma_wait3A_167 = tpu.memref_slice %arg2[%add3A_162, %dma_wait3A_166] : memref<512x20000xi32, #tpu.memory_space<hbm>> -> memref<1x20000xi32, #tpu.memory_space<hbm>>
        %dma_wait3A_168 = tpu.memref_squeeze %dma_wait3A_167 : memref<1x20000xi32, #tpu.memory_space<hbm>> -> memref<20000xi32, #tpu.memory_space<hbm>>
        tpu.wait_dma2 semaphore(%arg16 : memref<!tpu.dma_semaphore, #tpu.memory_space<semaphore_mem>>) src(%dma_wait3A_168 : memref<20000xi32, #tpu.memory_space<hbm>>) dst(%arg9 : memref<20000xi32, #tpu.memory_space<vmem>>)
        %parallel_loop3A_169 = arith.constant 0 : i32
        %parallel_loop3A_170 = arith.constant 16384 : i32
        %parallel_loop3A_171 = arith.constant 16 : i32
        scf.for %parallel_loop3A_172 = %parallel_loop3A_169 to %parallel_loop3A_170 step %parallel_loop3A_171  : i32 {
          %parallel_loop3A_173 = arith.index_cast %parallel_loop3A_172 : i32 to index
          %parallel_loop3A_174 = tpu.vector_load %arg6[%parallel_loop3A_173] {strides = array<i32>} : memref<16384xi32, #tpu.memory_space<vmem>>, vector<16xi32>,
          %parallel_loop3A_175 = arith.constant 11 : i32
          %parallel_loop3A_176 = vector.broadcast %parallel_loop3A_175 : i32 to vector<16xi32>
          %parallel_loop3A_177 = arith.shrui %parallel_loop3A_174, %parallel_loop3A_176 : vector<16xi32>
          %parallel_loop3A_178 = arith.constant 2047 : i32
          %parallel_loop3A_179 = vector.broadcast %parallel_loop3A_178 : i32 to vector<16xi32>
          %parallel_loop3A_180 = arith.andi %parallel_loop3A_174, %parallel_loop3A_179 : vector<16xi32>
          %parallel_loop3A_181 = arith.index_cast %parallel_loop3A_172 : i32 to index
          %parallel_loop3A_182 = tpu.vector_load %arg7[%parallel_loop3A_181] {strides = array<i32>} : memref<16384xf32, #tpu.memory_space<vmem>>, vector<16xf32>,
          %parallel_loop3A_183 = tpu.vector_load_idx %arg8[%parallel_loop3A_177] : memref<20000xi32, #tpu.memory_space<vmem>>[vector<16xi32>], vector<16xi32>,
          %parallel_loop3A_184 = arith.constant 16 : i32
          %parallel_loop3A_185 = vector.broadcast %parallel_loop3A_184 : i32 to vector<16xi32>
          %parallel_loop3A_186 = arith.shli %parallel_loop3A_183, %parallel_loop3A_185 : vector<16xi32>
          %parallel_loop3A_187 = vector.bitcast %parallel_loop3A_186 : vector<16xi32> to vector<16xf32>
          %parallel_loop3A_188 = vector.broadcast %scan3A_49 : i32 to vector<16xi32>
          %parallel_loop3A_189 = arith.andi %parallel_loop3A_183, %parallel_loop3A_188 : vector<16xi32>
          %parallel_loop3A_190 = vector.bitcast %parallel_loop3A_189 : vector<16xi32> to vector<16xf32>
          %parallel_loop3A_191 = arith.mulf %parallel_loop3A_187, %parallel_loop3A_182 : vector<16xf32>
          tpu.vector_store_idx %arg12[%parallel_loop3A_180], %parallel_loop3A_191 {add = true} : memref<2048xf32, #tpu.memory_space<vmem>>[vector<16xi32>], vector<16xf32>,
          %parallel_loop3A_192 = arith.mulf %parallel_loop3A_190, %parallel_loop3A_182 : vector<16xf32>
          tpu.vector_store_idx %arg13[%parallel_loop3A_180], %parallel_loop3A_192 {add = true} : memref<2048xf32, #tpu.memory_space<vmem>>[vector<16xi32>], vector<16xf32>,
          %parallel_loop3A_193 = tpu.vector_load_idx %arg9[%parallel_loop3A_177] : memref<20000xi32, #tpu.memory_space<vmem>>[vector<16xi32>], vector<16xi32>,
          %parallel_loop3A_194 = arith.constant 16 : i32
          %parallel_loop3A_195 = vector.broadcast %parallel_loop3A_194 : i32 to vector<16xi32>
          %parallel_loop3A_196 = arith.shli %parallel_loop3A_193, %parallel_loop3A_195 : vector<16xi32>
          %parallel_loop3A_197 = vector.bitcast %parallel_loop3A_196 : vector<16xi32> to vector<16xf32>
          %parallel_loop3A_198 = vector.broadcast %scan3A_49 : i32 to vector<16xi32>
          %parallel_loop3A_199 = arith.andi %parallel_loop3A_193, %parallel_loop3A_198 : vector<16xi32>
          %parallel_loop3A_200 = vector.bitcast %parallel_loop3A_199 : vector<16xi32> to vector<16xf32>
          %parallel_loop3A_201 = arith.mulf %parallel_loop3A_197, %parallel_loop3A_182 : vector<16xf32>
          tpu.vector_store_idx %arg14[%parallel_loop3A_180], %parallel_loop3A_201 {add = true} : memref<2048xf32, #tpu.memory_space<vmem>>[vector<16xi32>], vector<16xf32>,
          %parallel_loop3A_202 = arith.mulf %parallel_loop3A_200, %parallel_loop3A_182 : vector<16xf32>
          tpu.vector_store_idx %arg15[%parallel_loop3A_180], %parallel_loop3A_202 {add = true} : memref<2048xf32, #tpu.memory_space<vmem>>[vector<16xi32>], vector<16xf32>,
        } {sc.loop_unroll_factor = 8 : i64, sc.parallel_access}
      } else {
      }
      %not3A = arith.constant true
      %not3A_119 = arith.xori %eq3A_97, %not3A : i1
      %convert_element_type3A_120 = arith.extui %not3A_119 : i1 to i32
      %cond3A_121 = arith.constant 0 : i32
      %cond3A_122 = arith.cmpi ne, %convert_element_type3A_120, %cond3A_121 : i32
      scf.if %cond3A_122 {
        %dma_wait3A_155 = arith.constant 0 : i32
        %dma_wait3A_156 = tpu.memref_slice %arg2[%add3A_93, %dma_wait3A_155] : memref<512x20000xi32, #tpu.memory_space<hbm>> -> memref<1x20000xi32, #tpu.memory_space<hbm>>
        %dma_wait3A_157 = tpu.memref_squeeze %dma_wait3A_156 : memref<1x20000xi32, #tpu.memory_space<hbm>> -> memref<20000xi32, #tpu.memory_space<hbm>>
        %dma_wait3A_158 = arith.constant 0 : i32
        %dma_wait3A_159 = tpu.memref_slice %arg2[%add3A_93, %dma_wait3A_158] : memref<512x20000xi32, #tpu.memory_space<hbm>> -> memref<1x20000xi32, #tpu.memory_space<hbm>>
        %dma_wait3A_160 = tpu.memref_squeeze %dma_wait3A_159 : memref<1x20000xi32, #tpu.memory_space<hbm>> -> memref<20000xi32, #tpu.memory_space<hbm>>
        tpu.wait_dma2 semaphore(%arg17 : memref<!tpu.dma_semaphore, #tpu.memory_space<semaphore_mem>>) src(%dma_wait3A_160 : memref<20000xi32, #tpu.memory_space<hbm>>) dst(%arg10 : memref<20000xi32, #tpu.memory_space<vmem>>)
        %add3A_161 = arith.constant 1 : i32
        %add3A_162 = arith.addi %add3A_93, %add3A_161 : i32
        %dma_wait3A_163 = arith.constant 0 : i32
        %dma_wait3A_164 = tpu.memref_slice %arg2[%add3A_162, %dma_wait3A_163] : memref<512x20000xi32, #tpu.memory_space<hbm>> -> memref<1x20000xi32, #tpu.memory_space<hbm>>
        %dma_wait3A_165 = tpu.memref_squeeze %dma_wait3A_164 : memref<1x20000xi32, #tpu.memory_space<hbm>> -> memref<20000xi32, #tpu.memory_space<hbm>>
        %dma_wait3A_166 = arith.constant 0 : i32
        %dma_wait3A_167 = tpu.memref_slice %arg2[%add3A_162, %dma_wait3A_166] : memref<512x20000xi32, #tpu.memory_space<hbm>> -> memref<1x20000xi32, #tpu.memory_space<hbm>>
        %dma_wait3A_168 = tpu.memref_squeeze %dma_wait3A_167 : memref<1x20000xi32, #tpu.memory_space<hbm>> -> memref<20000xi32, #tpu.memory_space<hbm>>
        tpu.wait_dma2 semaphore(%arg17 : memref<!tpu.dma_semaphore, #tpu.memory_space<semaphore_mem>>) src(%dma_wait3A_168 : memref<20000xi32, #tpu.memory_space<hbm>>) dst(%arg11 : memref<20000xi32, #tpu.memory_space<vmem>>)
        %parallel_loop3A_169 = arith.constant 0 : i32
        %parallel_loop3A_170 = arith.constant 16384 : i32
        %parallel_loop3A_171 = arith.constant 16 : i32
        scf.for %parallel_loop3A_172 = %parallel_loop3A_169 to %parallel_loop3A_170 step %parallel_loop3A_171  : i32 {
          %parallel_loop3A_173 = arith.index_cast %parallel_loop3A_172 : i32 to index
          %parallel_loop3A_174 = tpu.vector_load %arg6[%parallel_loop3A_173] {strides = array<i32>} : memref<16384xi32, #tpu.memory_space<vmem>>, vector<16xi32>,
          %parallel_loop3A_175 = arith.constant 11 : i32
          %parallel_loop3A_176 = vector.broadcast %parallel_loop3A_175 : i32 to vector<16xi32>
          %parallel_loop3A_177 = arith.shrui %parallel_loop3A_174, %parallel_loop3A_176 : vector<16xi32>
          %parallel_loop3A_178 = arith.constant 2047 : i32
          %parallel_loop3A_179 = vector.broadcast %parallel_loop3A_178 : i32 to vector<16xi32>
          %parallel_loop3A_180 = arith.andi %parallel_loop3A_174, %parallel_loop3A_179 : vector<16xi32>
          %parallel_loop3A_181 = arith.index_cast %parallel_loop3A_172 : i32 to index
          %parallel_loop3A_182 = tpu.vector_load %arg7[%parallel_loop3A_181] {strides = array<i32>} : memref<16384xf32, #tpu.memory_space<vmem>>, vector<16xf32>,
          %parallel_loop3A_183 = tpu.vector_load_idx %arg10[%parallel_loop3A_177] : memref<20000xi32, #tpu.memory_space<vmem>>[vector<16xi32>], vector<16xi32>,
          %parallel_loop3A_184 = arith.constant 16 : i32
          %parallel_loop3A_185 = vector.broadcast %parallel_loop3A_184 : i32 to vector<16xi32>
          %parallel_loop3A_186 = arith.shli %parallel_loop3A_183, %parallel_loop3A_185 : vector<16xi32>
          %parallel_loop3A_187 = vector.bitcast %parallel_loop3A_186 : vector<16xi32> to vector<16xf32>
          %parallel_loop3A_188 = vector.broadcast %scan3A_49 : i32 to vector<16xi32>
          %parallel_loop3A_189 = arith.andi %parallel_loop3A_183, %parallel_loop3A_188 : vector<16xi32>
          %parallel_loop3A_190 = vector.bitcast %parallel_loop3A_189 : vector<16xi32> to vector<16xf32>
          %parallel_loop3A_191 = arith.mulf %parallel_loop3A_187, %parallel_loop3A_182 : vector<16xf32>
          tpu.vector_store_idx %arg12[%parallel_loop3A_180], %parallel_loop3A_191 {add = true} : memref<2048xf32, #tpu.memory_space<vmem>>[vector<16xi32>], vector<16xf32>,
          %parallel_loop3A_192 = arith.mulf %parallel_loop3A_190, %parallel_loop3A_182 : vector<16xf32>
          tpu.vector_store_idx %arg13[%parallel_loop3A_180], %parallel_loop3A_192 {add = true} : memref<2048xf32, #tpu.memory_space<vmem>>[vector<16xi32>], vector<16xf32>,
          %parallel_loop3A_193 = tpu.vector_load_idx %arg11[%parallel_loop3A_177] : memref<20000xi32, #tpu.memory_space<vmem>>[vector<16xi32>], vector<16xi32>,
          %parallel_loop3A_194 = arith.constant 16 : i32
          %parallel_loop3A_195 = vector.broadcast %parallel_loop3A_194 : i32 to vector<16xi32>
          %parallel_loop3A_196 = arith.shli %parallel_loop3A_193, %parallel_loop3A_195 : vector<16xi32>
          %parallel_loop3A_197 = vector.bitcast %parallel_loop3A_196 : vector<16xi32> to vector<16xf32>
          %parallel_loop3A_198 = vector.broadcast %scan3A_49 : i32 to vector<16xi32>
          %parallel_loop3A_199 = arith.andi %parallel_loop3A_193, %parallel_loop3A_198 : vector<16xi32>
          %parallel_loop3A_200 = vector.bitcast %parallel_loop3A_199 : vector<16xi32> to vector<16xf32>
          %parallel_loop3A_201 = arith.mulf %parallel_loop3A_197, %parallel_loop3A_182 : vector<16xf32>
          tpu.vector_store_idx %arg14[%parallel_loop3A_180], %parallel_loop3A_201 {add = true} : memref<2048xf32, #tpu.memory_space<vmem>>[vector<16xi32>], vector<16xf32>,
          %parallel_loop3A_202 = arith.mulf %parallel_loop3A_200, %parallel_loop3A_182 : vector<16xf32>
          tpu.vector_store_idx %arg15[%parallel_loop3A_180], %parallel_loop3A_202 {add = true} : memref<2048xf32, #tpu.memory_space<vmem>>[vector<16xi32>], vector<16xf32>,
        } {sc.loop_unroll_factor = 8 : i64, sc.parallel_access}
      } else {
      }
      %dma_start3A_123 = arith.constant 0 : i32
      %dma_start3A_124 = tpu.memref_slice %arg5[%select_n3A, %add3A_93, %dma_start3A_123] : memref<4x1024x2048xf32, #tpu.memory_space<hbm>> -> memref<1x1x2048xf32, #tpu.memory_space<hbm>>
      %dma_start3A_125 = tpu.memref_squeeze %dma_start3A_124 : memref<1x1x2048xf32, #tpu.memory_space<hbm>> -> memref<2048xf32, #tpu.memory_space<hbm>>
      %dma_start3A_126 = arith.constant 0 : i32
      %dma_start3A_127 = tpu.memref_slice %arg5[%select_n3A, %add3A_93, %dma_start3A_126] : memref<4x1024x2048xf32, #tpu.memory_space<hbm>> -> memref<1x1x2048xf32, #tpu.memory_space<hbm>>
      %dma_start3A_128 = tpu.memref_squeeze %dma_start3A_127 : memref<1x1x2048xf32, #tpu.memory_space<hbm>> -> memref<2048xf32, #tpu.memory_space<hbm>>
      tpu.enqueue_dma source(%arg12 : memref<2048xf32, #tpu.memory_space<vmem>>) target(%dma_start3A_128 : memref<2048xf32, #tpu.memory_space<hbm>>) target_semaphore(%arg18 : memref<!tpu.dma_semaphore, #tpu.memory_space<semaphore_mem>>)
      %add3A_129 = arith.constant 512 : i32
      %add3A_130 = arith.addi %add3A_93, %add3A_129 : i32
      %dma_start3A_131 = arith.constant 0 : i32
      %dma_start3A_132 = tpu.memref_slice %arg5[%select_n3A, %add3A_130, %dma_start3A_131] : memref<4x1024x2048xf32, #tpu.memory_space<hbm>> -> memref<1x1x2048xf32, #tpu.memory_space<hbm>>
      %dma_start3A_133 = tpu.memref_squeeze %dma_start3A_132 : memref<1x1x2048xf32, #tpu.memory_space<hbm>> -> memref<2048xf32, #tpu.memory_space<hbm>>
      %dma_start3A_134 = arith.constant 0 : i32
      %dma_start3A_135 = tpu.memref_slice %arg5[%select_n3A, %add3A_130, %dma_start3A_134] : memref<4x1024x2048xf32, #tpu.memory_space<hbm>> -> memref<1x1x2048xf32, #tpu.memory_space<hbm>>
      %dma_start3A_136 = tpu.memref_squeeze %dma_start3A_135 : memref<1x1x2048xf32, #tpu.memory_space<hbm>> -> memref<2048xf32, #tpu.memory_space<hbm>>
      tpu.enqueue_dma source(%arg13 : memref<2048xf32, #tpu.memory_space<vmem>>) target(%dma_start3A_136 : memref<2048xf32, #tpu.memory_space<hbm>>) target_semaphore(%arg18 : memref<!tpu.dma_semaphore, #tpu.memory_space<semaphore_mem>>)
      %add3A_137 = arith.constant 1 : i32
      %add3A_138 = arith.addi %add3A_93, %add3A_137 : i32
      %dma_start3A_139 = arith.constant 0 : i32
      %dma_start3A_140 = tpu.memref_slice %arg5[%select_n3A, %add3A_138, %dma_start3A_139] : memref<4x1024x2048xf32, #tpu.memory_space<hbm>> -> memref<1x1x2048xf32, #tpu.memory_space<hbm>>
      %dma_start3A_141 = tpu.memref_squeeze %dma_start3A_140 : memref<1x1x2048xf32, #tpu.memory_space<hbm>> -> memref<2048xf32, #tpu.memory_space<hbm>>
      %dma_start3A_142 = arith.constant 0 : i32
      %dma_start3A_143 = tpu.memref_slice %arg5[%select_n3A, %add3A_138, %dma_start3A_142] : memref<4x1024x2048xf32, #tpu.memory_space<hbm>> -> memref<1x1x2048xf32, #tpu.memory_space<hbm>>
      %dma_start3A_144 = tpu.memref_squeeze %dma_start3A_143 : memref<1x1x2048xf32, #tpu.memory_space<hbm>> -> memref<2048xf32, #tpu.memory_space<hbm>>
      tpu.enqueue_dma source(%arg14 : memref<2048xf32, #tpu.memory_space<vmem>>) target(%dma_start3A_144 : memref<2048xf32, #tpu.memory_space<hbm>>) target_semaphore(%arg18 : memref<!tpu.dma_semaphore, #tpu.memory_space<semaphore_mem>>)
      %add3A_145 = arith.constant 1 : i32
      %add3A_146 = arith.addi %add3A_93, %add3A_145 : i32
      %add3A_147 = arith.constant 512 : i32
      %add3A_148 = arith.addi %add3A_146, %add3A_147 : i32
      %dma_start3A_149 = arith.constant 0 : i32
      %dma_start3A_150 = tpu.memref_slice %arg5[%select_n3A, %add3A_148, %dma_start3A_149] : memref<4x1024x2048xf32, #tpu.memory_space<hbm>> -> memref<1x1x2048xf32, #tpu.memory_space<hbm>>
      %dma_start3A_151 = tpu.memref_squeeze %dma_start3A_150 : memref<1x1x2048xf32, #tpu.memory_space<hbm>> -> memref<2048xf32, #tpu.memory_space<hbm>>
      %dma_start3A_152 = arith.constant 0 : i32
      %dma_start3A_153 = tpu.memref_slice %arg5[%select_n3A, %add3A_148, %dma_start3A_152] : memref<4x1024x2048xf32, #tpu.memory_space<hbm>> -> memref<1x1x2048xf32, #tpu.memory_space<hbm>>
      %dma_start3A_154 = tpu.memref_squeeze %dma_start3A_153 : memref<1x1x2048xf32, #tpu.memory_space<hbm>> -> memref<2048xf32, #tpu.memory_space<hbm>>
      tpu.enqueue_dma source(%arg15 : memref<2048xf32, #tpu.memory_space<vmem>>) target(%dma_start3A_154 : memref<2048xf32, #tpu.memory_space<hbm>>) target_semaphore(%arg18 : memref<!tpu.dma_semaphore, #tpu.memory_space<semaphore_mem>>)
    }
    %scan3A_54 = arith.constant 32 : i32
    %add3A_55 = arith.constant 64 : i32
    %add3A_56 = arith.addi %mul3A_32, %add3A_55 : i32
    %sub3A_57 = arith.constant 2 : i32
    %sub3A_58 = arith.subi %add3A_56, %sub3A_57 : i32
    %dma_wait3A = arith.constant 0 : i32
    %dma_wait3A_59 = tpu.memref_slice %arg5[%select_n3A, %sub3A_58, %dma_wait3A] : memref<4x1024x2048xf32, #tpu.memory_space<hbm>> -> memref<1x1x2048xf32, #tpu.memory_space<hbm>>
    %dma_wait3A_60 = tpu.memref_squeeze %dma_wait3A_59 : memref<1x1x2048xf32, #tpu.memory_space<hbm>> -> memref<2048xf32, #tpu.memory_space<hbm>>
    %dma_wait3A_61 = arith.constant 0 : i32
    %dma_wait3A_62 = tpu.memref_slice %arg5[%select_n3A, %sub3A_58, %dma_wait3A_61] : memref<4x1024x2048xf32, #tpu.memory_space<hbm>> -> memref<1x1x2048xf32, #tpu.memory_space<hbm>>
    %dma_wait3A_63 = tpu.memref_squeeze %dma_wait3A_62 : memref<1x1x2048xf32, #tpu.memory_space<hbm>> -> memref<2048xf32, #tpu.memory_space<hbm>>
    tpu.wait_dma2 semaphore(%arg18 : memref<!tpu.dma_semaphore, #tpu.memory_space<semaphore_mem>>) src(%arg12 : memref<2048xf32, #tpu.memory_space<vmem>>) dst(%dma_wait3A_63 : memref<2048xf32, #tpu.memory_space<hbm>>)
    %add3A_64 = arith.constant 512 : i32
    %add3A_65 = arith.addi %sub3A_58, %add3A_64 : i32
    %dma_wait3A_66 = arith.constant 0 : i32
    %dma_wait3A_67 = tpu.memref_slice %arg5[%select_n3A, %add3A_65, %dma_wait3A_66] : memref<4x1024x2048xf32, #tpu.memory_space<hbm>> -> memref<1x1x2048xf32, #tpu.memory_space<hbm>>
    %dma_wait3A_68 = tpu.memref_squeeze %dma_wait3A_67 : memref<1x1x2048xf32, #tpu.memory_space<hbm>> -> memref<2048xf32, #tpu.memory_space<hbm>>
    %dma_wait3A_69 = arith.constant 0 : i32
    %dma_wait3A_70 = tpu.memref_slice %arg5[%select_n3A, %add3A_65, %dma_wait3A_69] : memref<4x1024x2048xf32, #tpu.memory_space<hbm>> -> memref<1x1x2048xf32, #tpu.memory_space<hbm>>
    %dma_wait3A_71 = tpu.memref_squeeze %dma_wait3A_70 : memref<1x1x2048xf32, #tpu.memory_space<hbm>> -> memref<2048xf32, #tpu.memory_space<hbm>>
    tpu.wait_dma2 semaphore(%arg18 : memref<!tpu.dma_semaphore, #tpu.memory_space<semaphore_mem>>) src(%arg13 : memref<2048xf32, #tpu.memory_space<vmem>>) dst(%dma_wait3A_71 : memref<2048xf32, #tpu.memory_space<hbm>>)
    %add3A_72 = arith.constant 1 : i32
    %add3A_73 = arith.addi %sub3A_58, %add3A_72 : i32
    %dma_wait3A_74 = arith.constant 0 : i32
    %dma_wait3A_75 = tpu.memref_slice %arg5[%select_n3A, %add3A_73, %dma_wait3A_74] : memref<4x1024x2048xf32, #tpu.memory_space<hbm>> -> memref<1x1x2048xf32, #tpu.memory_space<hbm>>
    %dma_wait3A_76 = tpu.memref_squeeze %dma_wait3A_75 : memref<1x1x2048xf32, #tpu.memory_space<hbm>> -> memref<2048xf32, #tpu.memory_space<hbm>>
    %dma_wait3A_77 = arith.constant 0 : i32
    %dma_wait3A_78 = tpu.memref_slice %arg5[%select_n3A, %add3A_73, %dma_wait3A_77] : memref<4x1024x2048xf32, #tpu.memory_space<hbm>> -> memref<1x1x2048xf32, #tpu.memory_space<hbm>>
    %dma_wait3A_79 = tpu.memref_squeeze %dma_wait3A_78 : memref<1x1x2048xf32, #tpu.memory_space<hbm>> -> memref<2048xf32, #tpu.memory_space<hbm>>
    tpu.wait_dma2 semaphore(%arg18 : memref<!tpu.dma_semaphore, #tpu.memory_space<semaphore_mem>>) src(%arg14 : memref<2048xf32, #tpu.memory_space<vmem>>) dst(%dma_wait3A_79 : memref<2048xf32, #tpu.memory_space<hbm>>)
    %add3A_80 = arith.constant 1 : i32
    %add3A_81 = arith.addi %sub3A_58, %add3A_80 : i32
    %add3A_82 = arith.constant 512 : i32
    %add3A_83 = arith.addi %add3A_81, %add3A_82 : i32
    %dma_wait3A_84 = arith.constant 0 : i32
    %dma_wait3A_85 = tpu.memref_slice %arg5[%select_n3A, %add3A_83, %dma_wait3A_84] : memref<4x1024x2048xf32, #tpu.memory_space<hbm>> -> memref<1x1x2048xf32, #tpu.memory_space<hbm>>
    %dma_wait3A_86 = tpu.memref_squeeze %dma_wait3A_85 : memref<1x1x2048xf32, #tpu.memory_space<hbm>> -> memref<2048xf32, #tpu.memory_space<hbm>>
    %dma_wait3A_87 = arith.constant 0 : i32
    %dma_wait3A_88 = tpu.memref_slice %arg5[%select_n3A, %add3A_83, %dma_wait3A_87] : memref<4x1024x2048xf32, #tpu.memory_space<hbm>> -> memref<1x1x2048xf32, #tpu.memory_space<hbm>>
    %dma_wait3A_89 = tpu.memref_squeeze %dma_wait3A_88 : memref<1x1x2048xf32, #tpu.memory_space<hbm>> -> memref<2048xf32, #tpu.memory_space<hbm>>
    tpu.wait_dma2 semaphore(%arg18 : memref<!tpu.dma_semaphore, #tpu.memory_space<semaphore_mem>>) src(%arg15 : memref<2048xf32, #tpu.memory_space<vmem>>) dst(%dma_wait3A_89 : memref<2048xf32, #tpu.memory_space<hbm>>)
    return
  }
}

</mosaic_0001>

<sc_bundles>
// kernel: _sc_spmm.3.cloned.1.call-start
scs
__scs_entry_jumppad:
0x0: {  	(pc) =	sbr.rel $0x88, $3  }
0x1: {  	(tag) =	ssettag $0x0;
	lr =	simm.s32 $0x1  }
0x2: {  	[smem:$0x3F9E] =	sst lr;
	_ =	strace $0xD0000000  }
0x3: {  	_ = 	snop  }
0x4: {  	_ = 	snop  }
0x5: {  	_ = 	snop  }
0x6: {  	_ = 	snop  }
0x7: {  	_ = 	snop  }
__scs_overlays_trampoline_lowered:
0x8: {  	[smem:$0x3FAD] =	sst s0  }
0x9: {  	[smem:$0x3FAE] =	sst s1  }
0xa: {  	[smem:$0x3FAF] =	sst s2  }
0xb: {  	[smem:$0x3FB0] =	sst s3  }
0xc: {  	[smem:$0x3FB1] =	sst s4  }
0xd: {  	[smem:$0x3FB2] =	sst s5  }
0xe: {  	[smem:$0x3FB3] =	sst s6  }
0xf: {  	[smem:$0x3FB4] =	sst s7  }
0x10: {  	[smem:$0x3FB5] =	sst s8  }
0x11: {  	[smem:$0x3FB6] =	sst s9;
	s0 =	simm.s32 @!p0 $0x0  }
0x12: {  	s1 =	sld [smem:$0x3F9C];
	s0 =	simm.s32 @p0 $0x1  }
0x13: {  	[smem:$0x3FB7] =	sst s0;
	s0 =	simm.s32 @!p1 $0x0  }
0x14: {  	s2 =	sld [smem:$0x3F9B];
	s0 =	simm.s32 @p1 $0x1  }
0x15: {  	[smem:$0x3FB8] =	sst s0;
	s0 =	simm.s32 @!p2 $0x0  }
0x16: {  	s3 =	sld [smem:$0x3FDB];
	s0 =	simm.s32 @p2 $0x1  }
0x17: {  	s4 =	simm.s32 $0x1BF5;
	[smem:$0x3FBA] =	sst s0  }
0x18: {  	s0 =	sld [smem:$0x3F9D];
	_ =	swait.ge [sflag:s4], $0x0  }
0x19: {  	s7 =	sld [smem:$0x3F9E]  }
0x1a: {  	s8 =	sadd.s32 $0xFFFFE003, lr  }
0x1b: {  	s9 =	sadd.s32 $0xFFFFFEF7, lr;
	s5 =	simm.s32 $0xFFFFFFFF;
	p2 =	slt.u32 s8, $0xFFFFF086  }
0x1c: {  	p1 =	slt.u32 s9, $0xF7A;
	s5 =	simm.s32 @!p2 $0x0  }
0x1d: {  	s5 =	simm.s32 @p1 $0x1;
	p0 =	seq.s32 s7, s2  }
0x1e: {  	s7 =	smul.u32 @!p0 $0xF7A, s2;
	p2 =	seq.s32 @!p0 s5, $0x0  }
0x1f: {  	s9 =	smul.u32 $0xF7A, s1;
	s8 =	simm.s32 @!p0 $0x1BF5;
	p2 =	por !p2, p0  }
0x20: {  	[sflag:s8] =	ssyncset.s32 @!p0 $0xFFFFF086;
	s6 =	sadd.s32 @!p0 s3, s7;
	s7 =	simm.s32 @!p0 $0x108  }
0x21: {  	s3 =	sadd.s32 s3, s9;
	s6 =	sadd.s32 @!p0 $0x88, s6;
	s7 =	simm.s32 @p2 $0x1082  }
0x22: {  	[simem:s7], [sflag:s8] =	dma.local @!p0 [hbm:s6], $0xF7A  }
0x23: {  	s9 =	sor.u32 $0xD0000000, s2;
	s6 =	simm.s32 $0x108;
	_ =	swait.ge @!p0 [sflag:s8], $0x0  }
0x24: {  	s3 =	sadd.s32 $0x88, s3;
	s6 =	simm.s32 @!p1 $0x1082;
	[sflag:s4] =	ssyncset.s32 $0xFFFFF086  }
0x25: {  	[simem:s6], [sflag:s4] =	dma.local [hbm:s3], $0xF7A  }
0x26: {  	[smem:$0x3F9E] =	sst s1;
	(tag) =	ssettag s2;
	_ =	strace s9  }
0x27: {  	s1 =	sld [smem:$0x3FAE]  }
0x28: {  	s2 =	sld [smem:$0x3FAF]  }
0x29: {  	s4 =	sld [smem:$0x3FB1]  }
0x2a: {  	p0 =	seq.s32 s5, $0x0;
	s5 =	sld [smem:$0x3FB2]  }
0x2b: {  	s6 =	sld [smem:$0x3FB3]  }
0x2c: {  	s7 =	sld [smem:$0x3FB4]  }
0x2d: {  	s3 =	simm.s32 $0x108;
	s8 =	sld [smem:$0x3FB5]  }
0x2e: {  	s3 =	simm.s32 @!p0 $0x1082;
	s9 =	sld [smem:$0x3FB6]  }
0x2f: {  	lr =	sadd.s32 s0, s3;
	s0 =	sld [smem:$0x3FAD]  }
0x30: {  	s3 =	sld [smem:$0x3FB0]  }
0x31: {  	[smem:$0x3FB9] =	sst s10  }
0x32: {  	s10 =	sld [smem:$0x3FB7];
	_ =	sdelay $0x3  }
0x33: {  	p0 =	seq.s32 s10, $0x1;
	s10 =	sld [smem:$0x3FB9];
	_ =	sdelay $0x3  }
0x34: {  	[smem:$0x3FB9] =	sst s10  }
0x35: {  	s10 =	sld [smem:$0x3FB8];
	_ =	sdelay $0x3  }
0x36: {  	p1 =	seq.s32 s10, $0x1;
	s10 =	sld [smem:$0x3FB9];
	_ =	sdelay $0x3  }
0x37: {  	[smem:$0x3FB9] =	sst s10  }
0x38: {  	s10 =	sld [smem:$0x3FBA]  }
0x39: {  	_ = 	snop;
	(pc) =	sbr.ind lr, $3  }
0x3a: {  	_ = 	snop  }
0x3b: {  	_ = 	snop  }
0x3c: {  	p2 =	seq.s32 s10, $0x1;
	s10 =	sld [smem:$0x3FB9]  }
0x3d: {  	_ =	shalt  }
0x3e: {  	_ =	shalt  }
0x3f: {  	_ =	shalt  }
0x40: {  	_ =	shalt  }
0x41: {  	_ =	shalt  }
0x42: {  	_ =	shalt  }
0x43: {  	_ =	shalt  }
0x44: {  	_ =	shalt  }
0x45: {  	_ =	shalt  }
0x46: {  	_ =	shalt  }
0x47: {  	_ =	shalt  }
0x48: {  	_ =	shalt  }
0x49: {  	_ =	shalt  }
0x4a: {  	_ =	shalt  }
0x4b: {  	_ =	shalt  }
0x4c: {  	_ =	shalt  }
0x4d: {  	_ =	shalt  }
0x4e: {  	_ =	shalt  }
0x4f: {  	_ =	shalt  }
0x50: {  	_ =	shalt  }
0x51: {  	_ =	shalt  }
0x52: {  	_ =	shalt  }
0x53: {  	_ =	shalt  }
0x54: {  	_ =	shalt  }
0x55: {  	_ =	shalt  }
0x56: {  	_ =	shalt  }
0x57: {  	_ =	shalt  }
0x58: {  	_ =	shalt  }
0x59: {  	_ =	shalt  }
0x5a: {  	_ =	shalt  }
0x5b: {  	_ =	shalt  }
0x5c: {  	_ =	shalt  }
0x5d: {  	_ =	shalt  }
0x5e: {  	_ =	shalt  }
0x5f: {  	_ =	shalt  }
0x60: {  	_ =	shalt  }
0x61: {  	_ =	shalt  }
0x62: {  	_ =	shalt  }
0x63: {  	_ =	shalt  }
0x64: {  	_ =	shalt  }
0x65: {  	_ =	shalt  }
0x66: {  	_ =	shalt  }
0x67: {  	_ =	shalt  }
0x68: {  	_ =	shalt  }
0x69: {  	_ =	shalt  }
0x6a: {  	_ =	shalt  }
0x6b: {  	_ =	shalt  }
0x6c: {  	_ =	shalt  }
0x6d: {  	_ =	shalt  }
0x6e: {  	_ =	shalt  }
0x6f: {  	_ =	shalt  }
0x70: {  	_ =	shalt  }
0x71: {  	_ =	shalt  }
0x72: {  	_ =	shalt  }
0x73: {  	_ =	shalt  }
0x74: {  	_ =	shalt  }
0x75: {  	_ =	shalt  }
0x76: {  	_ =	shalt  }
0x77: {  	_ =	shalt  }
0x78: {  	_ =	shalt  }
0x79: {  	_ =	shalt  }
0x7a: {  	_ =	shalt  }
0x7b: {  	_ =	shalt  }
0x7c: {  	_ =	shalt  }
0x7d: {  	_ =	shalt  }
0x7e: {  	_ =	shalt  }
0x7f: {  	_ =	shalt  }
0x80: {  	_ =	shalt  }
0x81: {  	_ =	shalt  }
0x82: {  	_ =	shalt  }
0x83: {  	_ =	shalt  }
0x84: {  	_ =	shalt  }
0x85: {  	_ =	shalt  }
0x86: {  	_ =	shalt  }
0x87: {  	_ =	shalt  }
.Lfunc_end0:
.L_simem_size_0:
called_computation_lowered:
.L_overlay_start_0:
0x88: {  	s2 =	sld [smem:$0x3FD9]  }
0x89: {  	s3 =	sld [smem:$0x3FFE];
	_ =	sdelay $0x1  }
0x8a: {  	s1 =	srdreg.scid  }
0x8b: {  	s0 =	sand.u32 $0x1, s1  }
0x8c: {  	s17 =	sshll.u32 s0, $0xA;
	s2 =	sadd.s32 s3, s2  }
0x8d: {  	s2 =	sadd.s32 s2, s17  }
0x8e: {  	[smem:$0x3FC5] =	sst s2  }
0x8f: {  	_ = 	snop  }
0x90: {  	s2 =	sld [smem:$0x3FC8]  }
0x91: {  	s18 =	sld [smem:$0x3FC7]  }
0x92: {  	s4 =	sld [smem:$0x3FD0];
	(tm) =	ssettm $0x1  }
0x93: {  	s5 =	sld [smem:$0x3FFB];
	_ =	sdelay $0x3  }
0x94: {  	_ =	strace s5  }
0x95: {  	s5 =	sld [smem:$0x3FFC];
	_ =	sdelay $0x3  }
0x96: {  	_ =	strace s5  }
0x97: {  	s5 =	sld [smem:$0x3FFD];
	_ =	sdelay $0x3  }
0x98: {  	_ =	strace s5  }
0x99: {  	_ =	strace $0x8FFFFFFF  }
0x9a: {  	s19 =	sld [smem:$0x3FDB];
	_ =	sdelay $0x1  }
0x9b: {  	s6 =	simm.s32 $_scs_section_size  }
0x9c: {  	s7 =	simm.s32 $_size__tile_overlayer_lowered;
	s8 =	simm.s32 $_tile_overlayer_lowered  }
0x9d: {  	s22 =	simm.s32 $0x1BFF;
	s21 =	sshll.u32 s8, $0x1;
	s5 =	sadd.s32 s6, s19  }
0x9e: {  	s9 =	simm.s32 $0x0;
	s20 =	sshll.u32 s7, $0x1;
	s7 =	sadd.s32 s21, s5  }
0x9f: {  	[timem:s9], [sflag:s22] =	dma.local [hbm:s7], s20  }
0xa0: {  	_ =	swait.ge [sflag:s22], s20  }
0xa1: {  	s6 =	ssub.s32 $0x0, s20;
	[sflag:s22] =	ssyncset.done $0x0  }
0xa2: {  	[sflag:s22] =	ssyncadd.s32 s6;
	_ =	sdelay $0x1  }
0xa3: {  	s23 =	simm.s32 $0x1B8B  }
0xa4: {  	_ =	swait.ge [sflag:s23], $0x1  }
0xa5: {  	[sflag:s23] =	ssyncset.done $0x0  }
0xa6: {  	s25 =	simm.s32 $0x1B8E;
	s24 =	sld [smem:$0x3FFE];
	[sflag:s23] =	ssyncadd.s32 $0xFFFFFFFF  }
0xa7: {  	s26 =	simm.s32 $execute0_lowered;
	[smem:$0x3FD2] =	sst s25  }
0xa8: {  	s7 =	sshll.u32 s26, $0x1;
	_ =	strace $0x80000046;
	[dreg:$0x1] =	wrdreg $0xFFFFFFFF  }
0xa9: {  	s28 =	simm.s32 $_size_execute0_lowered;
	s5 =	sadd.s32 s5, s7;
	[dreg:$0x0] =	wrdreg $0x0  }
0xaa: {  	s7 =	sshll.u32 s28, $0x1;
	[dreg:$0x2] =	wrdreg s5  }
0xab: {  	[dreg:$0x3] =	wrdreg s7  }
0xac: {  	[dreg:$0x4] =	wrdreg $0xC0  }
0xad: {  	_ =	task [dreg:s9], $0x5FFFF  }
0xae: {  	[dreg:$0x1] =	wrdreg $0xFFFFFFFF  }
0xaf: {  	[dreg:$0x0] =	wrdreg $0x60  }
0xb0: {  	[dreg:$0x2] =	wrdreg s24  }
0xb1: {  	[dreg:$0x3] =	wrdreg s2  }
0xb2: {  	[dreg:$0x4] =	wrdreg s18  }
0xb3: {  	[dreg:$0x5] =	wrdreg s4  }
0xb4: {  	[dreg:$0x6] =	wrdreg $0x9  }
0xb5: {  	_ =	task.clear_ibuf [dreg:s9], $0x7FFFF;
	_ =	strace $0x90000046  }
0xb6: {  	s29 =	simm.s32 $0x9;
	_ =	strace $0x80000048  }
0xb7: {  	_ =	swait.ge [sflag:s29], $0x1  }
0xb8: {  	[sflag:s29] =	ssyncadd.s32 $0xFFFFFFFF  }
0xb9: {  	_ =	strace $0x90000048  }
0xba: {  	_ =	sfence  }
0xbb: {  	s30 =	sld [smem:$0x0];
	_ =	sdelay $0x2  }
0xbc: {  	s31 =	sshll.u32 s1, $0xD;
	s1 =	sshrl.u32 s1, $0x2  }
0xbd: {  	s3 =	sand.u32 $0x4000, s31;
	s1 =	sadd.s32 s1, s30  }
0xbe: {  	s0 =	sor.u32 s3, s0;
	s1 =	sshll.u32 s1, $0x11  }
0xbf: {  	s0 =	sor.u32 s1, s0  }
0xc0: {  	s0 =	sadd.s32 $0x8F2B, s0  }
0xc1: {  	[sflag:s0] =	ssyncadd.remote.s32 $0x1  }
0xc2: {  	_ =	sfence.sel $0xFFFF  }
0xc3: {  	[dreg:$0x0] =	wrdreg $0xFFFFFFFF;
	(pc) =	sbr.abs _section_cstart, $3  }
0xc4: {  	[dreg:$0x1] =	wrdreg $0xFFFFFFFF  }
0xc5: {  	_ =	task.clear_ibuf [dreg:s9], $0x2FFFF;
	_ =	strace $0x9FFFFFFF  }
0xc6: {  	(tm) =	ssettm $0x7FFFFFFF  }
0xc7: {  	_ =	shalt  }
tec
execute0_lowered:
.L_overlay_start_1:
0x0: {  	(tag) =	ssettag $0x1  }
0x1: {  	s0 =	rddreg [dreg:$0x0]  }
0x2: {  	s1 =	rddreg [dreg:$0x1]  }
0x3: {  	s3 =	rddreg [dreg:$0x2]  }
0x4: {  	s2 =	rddreg [dreg:$0x3]  }
0x5: {  	s4 =	simm.s32 $0x0;
	s7 =	stileid.u32;
	s24 =	srdreg.scid  }
0x6: {  	s14 =	simm.s32 $0x4;
	s16 =	simm.s32 $0x80;
	s17 =	simm.s32 $0x400  }
0x7: {  	s18 =	simm.s32 $0x8000;
	s19 =	simm.s32 $0xCE80;
	s20 =	simm.s32 $0x3  }
0x8: {  	s21 =	simm.s32 $0x1;
	s22 =	simm.s32 $0x1BA00;
	s23 =	simm.s32 $0x1C200  }
0x9: {  	s28 =	simm.s32 $0x11D00;
	s29 =	simm.s32 $0x16B80;
	s30 =	simm.s32 $0x0  }
0xa: {  	[smem:$0x7FF] =	sst s4;
	s5 =	sshll.u32 s7, $0x1;
	s6 =	sand.u32 $0x1, s24  }
0xb: {  	s4 =	sadd.s32 $0x400, s0;
	s10 =	sshrl.u32 s7, $0x2;
	s11 =	sadd.s32 $0x20000, s2  }
0xc: {  	s24 =	simm.s32 $0x1CA00;
	_ =	strace $0x80000047;
	s5 =	sand.u32 $0x6, s5  }
0xd: {  	s25 =	ssub.s32 $0x2, s6;
	s31 =	sshll.u32 s10, $0xB;
	s10 =	sshll.u32 s10, $0x15  }
.Ltmp0:
0xe: {  	s5 =	sor.u32 s6, s5;
	s26 =	sshrl.u32 s25, $0x1;
	(pc) =	sbr.rel .LBB2_1-.Ltmp0, $4  }
0xf: {  	s1 =	sadd.s32 s1, s31;
	s7 =	sadd.s32 s3, s31;
	s8 =	smul.u32 $0x27400, s5  }
0x10: {  	s12 =	sor.u32 $0x80, s10;
	s0 =	ssub.s32 s25, s26;
	s5 =	sshll.u32 s5, $0x6  }
0x11: {  	[dreg:$0x5] =	wrdreg s1;
	s25 =	simm.s32 $0x1D200;
	s8 =	sadd.s32 s4, s8  }
0x12: {  	v0 =	vimm.f32 $0.0e+00;
	s26 =	simm.s32 $0x2;
	s13 =	smax.u32 s0, $0x1;
	s9 =	sadd.s32 $0x10, s8  }
.LBB2_23:
0x13: {  	_ =	swait.ge [sflag:s20], $0x800  }
0x14: {  	[sflag:s20] =	ssyncset.done $0x0  }
0x15: {  	[sflag:s20] =	ssyncadd.s32 $0xFFFFF800  }
0x16: {  	_ =	swait.ge [sflag:s20], $0x800  }
0x17: {  	[sflag:s20] =	ssyncset.done $0x0  }
0x18: {  	s30 =	sadd.s32 $0x1, s30;
	[sflag:s20] =	ssyncadd.s32 $0xFFFFF800  }
0x19: {  	p0 =	sne.s32 s30, s13;
	_ =	swait.ge [sflag:s20], $0x800  }
.Ltmp1:
0x1a: {  	[sflag:s20] =	ssyncset.done $0x0;
	(pc) =	sbr.rel @!p0 .LBB2_24-.Ltmp1, $4  }
0x1b: {  	[sflag:s20] =	ssyncadd.s32 $0xFFFFF800  }
0x1c: {  	_ =	swait.ge [sflag:s20], $0x800  }
0x1d: {  	[sflag:s20] =	ssyncset.done $0x0  }
0x1e: {  	[sflag:s20] =	ssyncadd.s32 $0xFFFFF800  }
.LBB2_1:
0x1f: {  	s0 =	simm.s32 $0x0;
	s1 =	rddreg [dreg:$0x5]  }
0x20: {  	[tilespmem:s0], [sflag:$0x4] =	stream.linear.gather [hbm4b:s1+s0], $0x4000, $0x38;
	[tilespmem:$0x1DA00] =	vst v63  }
0x21: {  	_ =	swait.ge [sflag:s14], $0x4000  }
0x22: {  	[sflag:s14] =	ssyncset.done $0x0  }
0x23: {  	s15 =	simm.s32 $0x4000;
	[sflag:s14] =	ssyncadd.s32 $0xFFFFC000  }
0x24: {  	[tilespmem:s15], [sflag:$0x4] =	stream.linear.gather [hbm4b:s7+s0], $0x4000, $0x38;
	[tilespmem:$0x1DA00] =	vst v63  }
0x25: {  	_ =	swait.ge [sflag:s14], $0x4000  }
.Ltmp2:
0x26: {  	[sflag:s14] =	ssyncset.done $0x0;
	(pc) =	sbr.rel .LBB2_2-.Ltmp2, $4  }
0x27: {  	[sflag:s14] =	ssyncadd.s32 $0xFFFFC000  }
0x28: {  	[tilespmem:s18], [sflag:$0x1] =	stream.strided.gather [hbm4b:s8+s16], $0x4E80, s17, s16, $0x38;
	[tilespmem:$0x1DA00] =	vst v63  }
0x29: {  	s31 =	simm.s32 $0x0  }
0x2a: {  	[tilespmem:s19], [sflag:$0x1] =	stream.strided.gather [hbm4b:s9+s16], $0x4E80, s17, s16, $0x38;
	[tilespmem:$0x1DA00] =	vst v63  }
.LBB2_22:
0x2b: {  	s1 =	sshll.u32 s31, $0x8  }
0x2c: {  	s3 =	sshll.u32 s0, $0xB;
	s1 =	sand.u32 $0x300, s1  }
0x2d: {  	s3 =	sand.u32 $0xFC000, s3;
	s6 =	sor.u32 s10, s1  }
0x2e: {  	s6 =	sor.u32 s3, s6  }
0x2f: {  	s6 =	sshrl.u32 s6, $0x3  }
0x30: {  	s1 =	sor.u32 s12, s1;
	s15 =	sadd.s32 s2, s6  }
0x31: {  	[hbm4b:s15+s16] =	stream.strided.scatter [tilespmem:s22], [sflag:$0x3], $0x800, s17, s16, $0x38;
	[tilespmem:$0x1DA00] =	vst v63  }
0x32: {  	s1 =	sor.u32 s3, s1;
	s6 =	sadd.s32 s6, s11  }
0x33: {  	[hbm4b:s6+s16] =	stream.strided.scatter [tilespmem:s23], [sflag:$0x3], $0x800, s17, s16, $0x38;
	[tilespmem:$0x1DA00] =	vst v63  }
0x34: {  	s1 =	sshrl.u32 s1, $0x3;
	s6 =	sor.u32 $0x201, s0  }
0x35: {  	s31 =	sadd.s32 $0x1, s31;
	s1 =	sadd.s32 s2, s1;
	s15 =	sshll.u32 s6, $0xB  }
0x36: {  	[hbm4b:s1+s16] =	stream.strided.scatter [tilespmem:s24], [sflag:$0x3], $0x800, s17, s16, $0x38;
	[tilespmem:$0x1DA00] =	vst v63  }
0x37: {  	p0 =	sne.s32 s31, $0x20;
	s0 =	sshll.u32 s6, $0x7;
	s1 =	sand.u32 $0x7FFFC000, s15  }
.Ltmp3:
0x38: {  	s0 =	sand.u32 $0x380, s0;
	s1 =	sadd.s32 s10, s1;
	(pc) =	sbr.rel @!p0 .LBB2_23-.Ltmp3, $4  }
0x39: {  	s0 =	sor.u32 s0, s1  }
0x3a: {  	s0 =	sshrl.u32 s0, $0x3  }
0x3b: {  	s0 =	sadd.s32 s2, s0  }
0x3c: {  	[hbm4b:s0+s16] =	stream.strided.scatter [tilespmem:s25], [sflag:$0x3], $0x800, s17, s16, $0x38;
	[tilespmem:$0x1DA00] =	vst v63  }
.LBB2_2:
0x3d: {  	p0 =	seq.s32 s31, $0x1F  }
.Ltmp4:
0x3e: {  	_ = 	snop;
	(pc) =	sbr.rel @p0 .LBB2_6-.Ltmp4, $3  }
0x3f: {  	_ =	sdelay $0x1  }
0x40: {  	s0 =	sshll.u32 s31, $0x1  }
0x41: {  	s1 =	sand.u32 $0x1, s31;
	s0 =	sadd.s32 s5, s0  }
0x42: {  	p0 =	seq.s32 s1, $0x0  }
.Ltmp5:
0x43: {  	_ = 	snop;
	(pc) =	sbr.rel @!p0 .LBB2_4-.Ltmp5, $1  }
0x44: {  	_ =	sdelay $0x3  }
0x45: {  	s3 =	sshrl.u32 s0, $0x3  }
0x46: {  	s6 =	sshll.u32 s31, $0x8;
	s3 =	smul.u32 $0x27400, s3  }
0x47: {  	s6 =	sand.u32 $0x200, s6  }
0x48: {  	s3 =	sor.u32 s6, s3  }
0x49: {  	p0 =	seq.s32 s31, $0x0;
	s3 =	sshrl.u32 s3, $0x3  }
.Ltmp6:
0x4a: {  	s3 =	sadd.s32 s3, s4;
	(pc) =	sbr.rel @!p0 .LBB2_6-.Ltmp6, $4  }
.Ltmp7:
0x4b: {  	s15 =	sadd.s32 $0x20, s3;
	(pc) =	sbr.rel @p0 .LBB2_7-.Ltmp7, $4  }
0x4c: {  	[tilespmem:s28], [sflag:$0x2] =	stream.strided.gather [hbm4b:s15+s16], $0x4E80, s17, s16, $0x38;
	[tilespmem:$0x1DA00] =	vst v63  }
0x4d: {  	s3 =	sadd.s32 $0x30, s3  }
0x4e: {  	[tilespmem:s29], [sflag:$0x2] =	stream.strided.gather [hbm4b:s3+s16], $0x4E80, s17, s16, $0x38;
	[tilespmem:$0x1DA00] =	vst v63  }
0x4f: {  	_ = 	snop  }
.LBB2_4:
0x50: {  	s3 =	sadd.s32 $0x2, s0  }
0x51: {  	s6 =	sshrl.u32 s3, $0x3  }
0x52: {  	s3 =	sshll.u32 s3, $0x7;
	s6 =	smul.u32 $0x27400, s6  }
0x53: {  	s3 =	sand.u32 $0x200, s3  }
0x54: {  	s3 =	sor.u32 s3, s6  }
0x55: {  	s3 =	sshrl.u32 s3, $0x3  }
0x56: {  	s3 =	sadd.s32 s4, s3  }
0x57: {  	[tilespmem:s18], [sflag:$0x1] =	stream.strided.gather [hbm4b:s3+s16], $0x4E80, s17, s16, $0x38;
	[tilespmem:$0x1DA00] =	vst v63  }
0x58: {  	s3 =	sadd.s32 $0x3, s0  }
0x59: {  	s15 =	sshrl.u32 s3, $0x3  }
0x5a: {  	s3 =	sshll.u32 s3, $0x7;
	s6 =	smul.u32 $0x27400, s15  }
0x5b: {  	s3 =	sand.u32 $0x280, s3  }
0x5c: {  	s3 =	sor.u32 s3, s6  }
0x5d: {  	s3 =	sshrl.u32 s3, $0x3  }
0x5e: {  	s3 =	sadd.s32 s4, s3  }
0x5f: {  	[tilespmem:s19], [sflag:$0x1] =	stream.strided.gather [hbm4b:s3+s16], $0x4E80, s17, s16, $0x38;
	[tilespmem:$0x1DA00] =	vst v63  }
.LBB2_6:
0x60: {  	_ =	swait.ge [sflag:s20], $0x800  }
0x61: {  	[sflag:s20] =	ssyncset.done $0x0  }
0x62: {  	[sflag:s20] =	ssyncadd.s32 $0xFFFFF800  }
0x63: {  	_ =	swait.ge [sflag:s20], $0x800  }
0x64: {  	[sflag:s20] =	ssyncset.done $0x0  }
0x65: {  	[sflag:s20] =	ssyncadd.s32 $0xFFFFF800  }
0x66: {  	_ =	swait.ge [sflag:s20], $0x800  }
0x67: {  	[sflag:s20] =	ssyncset.done $0x0  }
0x68: {  	[sflag:s20] =	ssyncadd.s32 $0xFFFFF800  }
0x69: {  	_ =	swait.ge [sflag:s20], $0x800  }
0x6a: {  	[sflag:s20] =	ssyncset.done $0x0  }
0x6b: {  	[sflag:s20] =	ssyncadd.s32 $0xFFFFF800  }
.LBB2_7:
0x6c: {  	s3 =	simm.s32 $0x1BA40  }
0x6d: {  	[tilespmem:s3+$0xFFFFFFC0] =	vst v0  }
0x6e: {  	[tilespmem:s3+$0x30] =	vst v0  }
0x6f: {  	[tilespmem:s3+$0x20] =	vst v0  }
0x70: {  	[tilespmem:s3+$0x10] =	vst v0  }
0x71: {  	[tilespmem:s3+$0x0] =	vst v0  }
0x72: {  	[tilespmem:s3+$0xFFFFFFF0] =	vst v0  }
0x73: {  	s6 =	simm.s32 $0x0;
	[tilespmem:s3+$0xFFFFFFE0] =	vst v0  }
.LBB2_8:
0x74: {  	s6 =	sadd.s32 $0x80, s6;
	[tilespmem:s3+$0xFFFFFFD0] =	vst v0;
	s3 =	sadd.s32 $0x80, s3;
	s15 =	simm.s32 $0x1C240  }
0x75: {  	[tilespmem:s3+$0xFFFFFFC0] =	vst v0;
	p0 =	slt.u32 s6, $0x780  }
0x76: {  	[tilespmem:s3+$0x30] =	vst v0  }
.Ltmp8:
0x77: {  	[tilespmem:s3+$0x20] =	vst v0;
	(pc) =	sbr.rel @p0 .LBB2_8-.Ltmp8, $4  }
0x78: {  	[tilespmem:s3+$0x10] =	vst v0  }
0x79: {  	[tilespmem:s3+$0x0] =	vst v0  }
0x7a: {  	[tilespmem:s3+$0xFFFFFFF0] =	vst v0  }
0x7b: {  	[tilespmem:s3+$0xFFFFFFE0] =	vst v0  }
0x7c: {  	[tilespmem:s3+$0xFFFFFFD0] =	vst v0  }
0x7d: {  	[tilespmem:s15+$0xFFFFFFC0] =	vst v0  }
0x7e: {  	[tilespmem:s15+$0x30] =	vst v0  }
0x7f: {  	[tilespmem:s15+$0x20] =	vst v0  }
0x80: {  	[tilespmem:s15+$0x10] =	vst v0  }
0x81: {  	[tilespmem:s15+$0x0] =	vst v0  }
0x82: {  	[tilespmem:s15+$0xFFFFFFF0] =	vst v0  }
0x83: {  	s6 =	simm.s32 $0x0;
	s3 =	simm.s32 $0x1CA40;
	[tilespmem:s15+$0xFFFFFFE0] =	vst v0  }
.LBB2_10:
0x84: {  	s6 =	sadd.s32 $0x80, s6;
	[tilespmem:s15+$0xFFFFFFD0] =	vst v0;
	s15 =	sadd.s32 $0x80, s15  }
0x85: {  	[tilespmem:s15+$0xFFFFFFC0] =	vst v0;
	p0 =	slt.u32 s6, $0x780  }
0x86: {  	[tilespmem:s15+$0x30] =	vst v0  }
.Ltmp9:
0x87: {  	[tilespmem:s15+$0x20] =	vst v0;
	(pc) =	sbr.rel @p0 .LBB2_10-.Ltmp9, $4  }
0x88: {  	[tilespmem:s15+$0x10] =	vst v0  }
0x89: {  	[tilespmem:s15+$0x0] =	vst v0  }
0x8a: {  	[tilespmem:s15+$0xFFFFFFF0] =	vst v0  }
0x8b: {  	[tilespmem:s15+$0xFFFFFFE0] =	vst v0  }
0x8c: {  	[tilespmem:s15+$0xFFFFFFD0] =	vst v0  }
0x8d: {  	[tilespmem:s3+$0xFFFFFFC0] =	vst v0  }
0x8e: {  	[tilespmem:s3+$0x30] =	vst v0  }
0x8f: {  	[tilespmem:s3+$0x20] =	vst v0  }
0x90: {  	[tilespmem:s3+$0x10] =	vst v0  }
0x91: {  	[tilespmem:s3+$0x0] =	vst v0  }
0x92: {  	[tilespmem:s3+$0xFFFFFFF0] =	vst v0  }
0x93: {  	s6 =	simm.s32 $0x0;
	[tilespmem:s3+$0xFFFFFFE0] =	vst v0  }
.LBB2_12:
0x94: {  	s6 =	sadd.s32 $0x80, s6;
	[tilespmem:s3+$0xFFFFFFD0] =	vst v0;
	s3 =	sadd.s32 $0x80, s3;
	s15 =	simm.s32 $0x1D240  }
0x95: {  	[tilespmem:s3+$0xFFFFFFC0] =	vst v0;
	p0 =	slt.u32 s6, $0x780  }
0x96: {  	[tilespmem:s3+$0x30] =	vst v0  }
.Ltmp10:
0x97: {  	[tilespmem:s3+$0x20] =	vst v0;
	(pc) =	sbr.rel @p0 .LBB2_12-.Ltmp10, $4  }
0x98: {  	[tilespmem:s3+$0x10] =	vst v0  }
0x99: {  	[tilespmem:s3+$0x0] =	vst v0  }
0x9a: {  	[tilespmem:s3+$0xFFFFFFF0] =	vst v0  }
0x9b: {  	[tilespmem:s3+$0xFFFFFFE0] =	vst v0  }
0x9c: {  	[tilespmem:s3+$0xFFFFFFD0] =	vst v0  }
0x9d: {  	[tilespmem:s15+$0xFFFFFFC0] =	vst v0  }
0x9e: {  	[tilespmem:s15+$0x30] =	vst v0  }
0x9f: {  	[tilespmem:s15+$0x20] =	vst v0  }
0xa0: {  	[tilespmem:s15+$0x10] =	vst v0  }
0xa1: {  	[tilespmem:s15+$0x0] =	vst v0  }
0xa2: {  	[tilespmem:s15+$0xFFFFFFF0] =	vst v0  }
0xa3: {  	s3 =	simm.s32 $0x0;
	[tilespmem:s15+$0xFFFFFFE0] =	vst v0  }
.LBB2_14:
0xa4: {  	s3 =	sadd.s32 $0x80, s3;
	[tilespmem:s15+$0xFFFFFFD0] =	vst v0;
	s15 =	sadd.s32 $0x80, s15  }
0xa5: {  	[tilespmem:s15+$0xFFFFFFC0] =	vst v0;
	p0 =	slt.u32 s3, $0x780  }
0xa6: {  	[tilespmem:s15+$0x30] =	vst v0  }
.Ltmp11:
0xa7: {  	[tilespmem:s15+$0x20] =	vst v0;
	(pc) =	sbr.rel @p0 .LBB2_14-.Ltmp11, $4  }
0xa8: {  	[tilespmem:s15+$0x10] =	vst v0  }
0xa9: {  	[tilespmem:s15+$0x0] =	vst v0  }
0xaa: {  	[tilespmem:s15+$0xFFFFFFF0] =	vst v0  }
0xab: {  	[tilespmem:s15+$0xFFFFFFE0] =	vst v0  }
0xac: {  	p0 =	sne.s32 s1, $0x0  }
.Ltmp12:
0xad: {  	_ = 	snop;
	(pc) =	sbr.rel @p0 .LBB2_19-.Ltmp12, $2  }
0xae: {  	_ =	sdelay $0x2  }
0xaf: {  	[tilespmem:s15+$0xFFFFFFD0] =	vst v0  }
0xb0: {  	_ =	swait.ge [sflag:s21], $0x4E80  }
0xb1: {  	[sflag:s21] =	ssyncset.done $0x0  }
0xb2: {  	[sflag:s21] =	ssyncadd.s32 $0xFFFFB180  }
0xb3: {  	_ =	swait.ge [sflag:s21], $0x4E80  }
0xb4: {  	[sflag:s21] =	ssyncset.done $0x0  }
0xb5: {  	s1 =	simm.s32 $0x40;
	[sflag:s21] =	ssyncadd.s32 $0xFFFFB180  }
0xb6: {  	v1 =	vld [tilespmem:s1+$0x30]  }
0xb7: {  	v2 =	vld [tilespmem:s1+$0xFFFFFFD0]  }
0xb8: {  	v3 =	vld [tilespmem:s1+$0xFFFFFFE0]  }
0xb9: {  	v4 =	vld [tilespmem:s1+$0xFFFFFFF0]  }
0xba: {  	v5 =	vld [tilespmem:s1+$0x0]  }
0xbb: {  	v7 =	vld [tilespmem:s1+$0x10]  }
0xbc: {  	v9 =	vld [tilespmem:s1+$0xFFFFFFC0]  }
0xbd: {  	v10 =	vld [tilespmem:s1+$0x20];
	s1 =	simm.s32 $0x4040;
	v6 =	vshrl.u32 v1, $0xB  }
0xbe: {  	v18 =	vld [tilespmem:s1+$0x30]  }
0xbf: {  	v53 =	vld [tilespmem:s1+$0xFFFFFFC0]  }
0xc0: {  	v54 =	vld [tilespmem:s1+$0xFFFFFFD0]  }
0xc1: {  	v27 =	vld [tilespmem:s1+$0xFFFFFFE0]  }
0xc2: {  	v8 =	vshrl.u32 v2, $0xB;
	v14 =	vld.idx.msk [tilespmem:v6+s18+$0x0], $0xffff  }
0xc3: {  	v28 =	vld [tilespmem:s1+$0xFFFFFFF0];
	v12 =	vshrl.u32 v4, $0xB  }
0xc4: {  	v30 =	vld [tilespmem:s1+$0x0];
	v17 =	vshrl.u32 v9, $0xB  }
0xc5: {  	v31 =	vld [tilespmem:s1+$0x10];
	v1 =	vand.u32 $0x7FF, v1  }
0xc6: {  	v34 =	vld [tilespmem:s1+$0x20]  }
0xc7: {  	v16 =	vld.idx.msk [tilespmem:v8+s18+$0x0], $0xffff;
	v24 =	vshll.u32 v14, $0x10  }
0xc8: {  	v11 =	vshrl.u32 v3, $0xB;
	v21 =	vld.idx.msk [tilespmem:v12+s18+$0x0], $0xffff;
	v14 =	vand.u32 $0xFFFF0000, v14;
	v24 =	vmul.f32 v24, v18  }
0xc9: {  	v13 =	vshrl.u32 v5, $0xB;
	v25 =	vld.idx.msk [tilespmem:v17+s18+$0x0], $0xffff;
	v14 =	vmul.f32 v14, v18  }
0xca: {  	v15 =	vshrl.u32 v7, $0xB;
	[tilespmem:v1+s22+$0x0] =	vst.idx.add.f32.msk $0xffff, v24  }
0xcb: {  	v19 =	vshrl.u32 v10, $0xB;
	[tilespmem:v1+s23+$0x0] =	vst.idx.add.f32.msk $0xffff, v14  }
0xcc: {  	v9 =	vand.u32 $0x7FF, v9;
	v6 =	vld.idx.msk [tilespmem:v6+s19+$0x0], $0xffff  }
0xcd: {  	v33 =	vand.u32 $0x7FF, v2;
	v20 =	vld.idx.msk [tilespmem:v11+s18+$0x0], $0xffff  }
0xce: {  	v4 =	vand.u32 $0x7FF, v4;
	v22 =	vld.idx.msk [tilespmem:v13+s18+$0x0], $0xffff;
	v29 =	vshll.u32 v25, $0x10  }
0xcf: {  	v23 =	vld.idx.msk [tilespmem:v15+s18+$0x0], $0xffff;
	v55 =	vshll.u32 v16, $0x10;
	v29 =	vmul.f32 v29, v53  }
0xd0: {  	v57 =	vand.u32 $0x7FF, v5;
	v26 =	vld.idx.msk [tilespmem:v19+s18+$0x0], $0xffff;
	v5 =	vshll.u32 v21, $0x10;
	v56 =	vmul.f32 v55, v54  }
0xd1: {  	v5 =	vmul.f32 v5, v28;
	[tilespmem:v9+s22+$0x0] =	vst.idx.add.f32.msk $0xffff, v29;
	v32 =	vshll.u32 v6, $0x10  }
0xd2: {  	[tilespmem:v33+s22+$0x0] =	vst.idx.add.f32.msk $0xffff, v56;
	v2 =	vand.u32 $0xFFFF0000, v6;
	v6 =	vmul.f32 v32, v18  }
0xd3: {  	v3 =	vand.u32 $0x7FF, v3;
	v25 =	vand.u32 $0xFFFF0000, v25;
	[tilespmem:v4+s22+$0x0] =	vst.idx.add.f32.msk $0xffff, v5;
	v2 =	vmul.f32 v2, v18  }
0xd4: {  	v25 =	vmul.f32 v25, v53;
	[tilespmem:v1+s24+$0x0] =	vst.idx.add.f32.msk $0xffff, v6;
	v6 =	vand.u32 $0xFFFF0000, v16  }
0xd5: {  	[tilespmem:v1+s25+$0x0] =	vst.idx.add.f32.msk $0xffff, v2;
	v1 =	vshll.u32 v20, $0x10;
	v2 =	vmul.f32 v6, v54  }
0xd6: {  	[tilespmem:v9+s23+$0x0] =	vst.idx.add.f32.msk $0xffff, v25;
	v6 =	vand.u32 $0xFFFF0000, v20;
	v1 =	vmul.f32 v1, v27  }
0xd7: {  	v6 =	vmul.f32 v6, v27;
	[tilespmem:v33+s23+$0x0] =	vst.idx.add.f32.msk $0xffff, v2;
	v2 =	vand.u32 $0xFFFF0000, v21  }
0xd8: {  	[tilespmem:v3+s22+$0x0] =	vst.idx.add.f32.msk $0xffff, v1;
	v1 =	vand.u32 $0x7FF, v7;
	v7 =	vshll.u32 v22, $0x10;
	v58 =	vmul.f32 v2, v28  }
0xd9: {  	[tilespmem:v3+s23+$0x0] =	vst.idx.add.f32.msk $0xffff, v6;
	v6 =	vand.u32 $0xFFFF0000, v22;
	v7 =	vmul.f32 v7, v30  }
0xda: {  	v2 =	vand.u32 $0x7FF, v10;
	v6 =	vmul.f32 v6, v30;
	[tilespmem:v4+s23+$0x0] =	vst.idx.add.f32.msk $0xffff, v58  }
0xdb: {  	v5 =	vshll.u32 v23, $0x10;
	[tilespmem:v57+s22+$0x0] =	vst.idx.add.f32.msk $0xffff, v7  }
0xdc: {  	v5 =	vmul.f32 v5, v31;
	v7 =	vshll.u32 v26, $0x10;
	[tilespmem:v57+s23+$0x0] =	vst.idx.add.f32.msk $0xffff, v6  }
0xdd: {  	v6 =	vmul.f32 v7, v34;
	v7 =	vld.idx.msk [tilespmem:v11+s19+$0x0], $0xffff  }
0xde: {  	[tilespmem:v1+s22+$0x0] =	vst.idx.add.f32.msk $0xffff, v5;
	v5 =	vand.u32 $0xFFFF0000, v26  }
0xdf: {  	v5 =	vmul.f32 v5, v34;
	[tilespmem:v2+s22+$0x0] =	vst.idx.add.f32.msk $0xffff, v6  }
0xe0: {  	v10 =	vand.u32 $0xFFFF0000, v23;
	v6 =	vld.idx.msk [tilespmem:v17+s19+$0x0], $0xffff  }
0xe1: {  	v10 =	vmul.f32 v10, v31;
	[tilespmem:v2+s23+$0x0] =	vst.idx.add.f32.msk $0xffff, v5  }
0xe2: {  	v5 =	vld.idx.msk [tilespmem:v8+s19+$0x0], $0xffff  }
0xe3: {  	[tilespmem:v1+s23+$0x0] =	vst.idx.add.f32.msk $0xffff, v10  }
0xe4: {  	v10 =	vld.idx.msk [tilespmem:v13+s19+$0x0], $0xffff  }
0xe5: {  	v59 =	vld.idx.msk [tilespmem:v15+s19+$0x0], $0xffff;
	v11 =	vshll.u32 v6, $0x10  }
0xe6: {  	v8 =	vld.idx.msk [tilespmem:v12+s19+$0x0], $0xffff;
	v6 =	vand.u32 $0xFFFF0000, v6;
	v11 =	vmul.f32 v11, v53  }
0xe7: {  	v60 =	vld.idx.msk [tilespmem:v19+s19+$0x0], $0xffff;
	v6 =	vmul.f32 v6, v53;
	v61 =	vshll.u32 v5, $0x10  }
0xe8: {  	v5 =	vand.u32 $0xFFFF0000, v5;
	[tilespmem:v9+s24+$0x0] =	vst.idx.add.f32.msk $0xffff, v11;
	v11 =	vmul.f32 v61, v54  }
0xe9: {  	v62 =	vshll.u32 v7, $0x10;
	v5 =	vmul.f32 v5, v54;
	[tilespmem:v9+s25+$0x0] =	vst.idx.add.f32.msk $0xffff, v6  }
0xea: {  	v6 =	vand.u32 $0xFFFF0000, v7;
	v7 =	vmul.f32 v62, v27;
	[tilespmem:v33+s24+$0x0] =	vst.idx.add.f32.msk $0xffff, v11  }
0xeb: {  	v9 =	vshll.u32 v8, $0x10;
	[tilespmem:v33+s25+$0x0] =	vst.idx.add.f32.msk $0xffff, v5;
	v5 =	vmul.f32 v6, v27  }
0xec: {  	v6 =	vand.u32 $0xFFFF0000, v8;
	[tilespmem:v3+s24+$0x0] =	vst.idx.add.f32.msk $0xffff, v7;
	v7 =	vmul.f32 v9, v28  }
0xed: {  	v8 =	vshll.u32 v10, $0x10;
	v6 =	vmul.f32 v6, v28;
	[tilespmem:v3+s25+$0x0] =	vst.idx.add.f32.msk $0xffff, v5  }
0xee: {  	v11 =	vshll.u32 v60, $0x10;
	v8 =	vmul.f32 v8, v30;
	v3 =	vand.u32 $0xFFFF0000, v10;
	[tilespmem:v4+s24+$0x0] =	vst.idx.add.f32.msk $0xffff, v7  }
0xef: {  	v5 =	vshll.u32 v59, $0x10;
	v7 =	vand.u32 $0xFFFF0000, v59;
	v63 =	vmul.f32 v3, v30;
	[tilespmem:v4+s25+$0x0] =	vst.idx.add.f32.msk $0xffff, v6  }
0xf0: {  	v3 =	vand.u32 $0xFFFF0000, v60;
	v10 =	vmul.f32 v5, v31;
	v9 =	vmul.f32 v7, v31;
	[tilespmem:v57+s24+$0x0] =	vst.idx.add.f32.msk $0xffff, v8  }
0xf1: {  	s15 =	simm.s32 $0x0;
	s3 =	simm.s32 $0xC0;
	v5 =	vmul.f32 v11, v34;
	v3 =	vmul.f32 v3, v34;
	[tilespmem:v57+s25+$0x0] =	vst.idx.add.f32.msk $0xffff, v63  }
.LBB2_17:
0xf2: {  	v13 =	vld [tilespmem:s3+$0x30]  }
0xf3: {  	v4 =	vld [tilespmem:s3+$0xFFFFFFD0]  }
0xf4: {  	s15 =	sadd.s32 $0x80, s15;
	v6 =	vld [tilespmem:s3+$0xFFFFFFE0]  }
0xf5: {  	p0 =	slt.u32 s15, $0x3F80;
	v14 =	vld [tilespmem:s3+$0xFFFFFFF0]  }
0xf6: {  	v15 =	vld [tilespmem:s3+$0x0]  }
0xf7: {  	v16 =	vld [tilespmem:s3+$0x10];
	v17 =	vshrl.u32 v13, $0xB  }
0xf8: {  	v11 =	vshrl.u32 v4, $0xB;
	v8 =	vand.u32 $0x7FF, v4;
	v18 =	vld [tilespmem:s3+$0x20]  }
0xf9: {  	v19 =	vld [tilespmem:s3+$0xFFFFFFC0];
	v12 =	vshrl.u32 v6, $0xB;
	v7 =	vand.u32 $0x7FF, v6  }
0xfa: {  	v20 =	vshrl.u32 v14, $0xB;
	v6 =	vand.u32 $0x7FF, v14;
	[tilespmem:v1+s24+$0x0] =	vst.idx.add.f32.msk $0xffff, v10  }
0xfb: {  	v14 =	vshrl.u32 v15, $0xB;
	v4 =	vand.u32 $0x7FF, v15;
	[tilespmem:v1+s25+$0x0] =	vst.idx.add.f32.msk $0xffff, v9  }
0xfc: {  	v15 =	vshrl.u32 v16, $0xB;
	v1 =	vand.u32 $0x7FF, v16;
	v16 =	vld.idx.msk [tilespmem:v17+s18+$0x0], $0xffff  }
0xfd: {  	s1 =	sadd.s32 $0x80, s1;
	v21 =	vld.idx.msk [tilespmem:v11+s18+$0x0], $0xffff;
	v22 =	vshrl.u32 v18, $0xB;
	v10 =	vand.u32 $0x7FF, v18  }
0xfe: {  	v18 =	vshrl.u32 v19, $0xB;
	v9 =	vand.u32 $0x7FF, v19;
	v19 =	vld [tilespmem:s1+$0x30]  }
0xff: {  	v23 =	vld.idx.msk [tilespmem:v12+s18+$0x0], $0xffff  }
0x100: {  	v13 =	vand.u32 $0x7FF, v13;
	v24 =	vld.idx.msk [tilespmem:v20+s18+$0x0], $0xffff  }
0x101: {  	v25 =	vld.idx.msk [tilespmem:v14+s18+$0x0], $0xffff  }
0x102: {  	v27 =	vshll.u32 v16, $0x10;
	v26 =	vld.idx.msk [tilespmem:v15+s18+$0x0], $0xffff  }
0x103: {  	v16 =	vand.u32 $0xFFFF0000, v16;
	v29 =	vshll.u32 v21, $0x10;
	v28 =	vld.idx.msk [tilespmem:v18+s18+$0x0], $0xffff;
	v27 =	vmul.f32 v27, v19  }
0x104: {  	v21 =	vand.u32 $0xFFFF0000, v21;
	v16 =	vmul.f32 v16, v19;
	v30 =	vld.idx.msk [tilespmem:v22+s18+$0x0], $0xffff  }
0x105: {  	v31 =	vshll.u32 v23, $0x10;
	v23 =	vand.u32 $0xFFFF0000, v23;
	[tilespmem:v13+s22+$0x0] =	vst.idx.add.f32.msk $0xffff, v27  }
0x106: {  	v27 =	vshll.u32 v24, $0x10;
	v24 =	vand.u32 $0xFFFF0000, v24;
	[tilespmem:v13+s23+$0x0] =	vst.idx.add.f32.msk $0xffff, v16  }
0x107: {  	v16 =	vshll.u32 v25, $0x10;
	v25 =	vand.u32 $0xFFFF0000, v25;
	v17 =	vld.idx.msk [tilespmem:v17+s19+$0x0], $0xffff  }
0x108: {  	v33 =	vshll.u32 v26, $0x10;
	v26 =	vand.u32 $0xFFFF0000, v26;
	v32 =	vld [tilespmem:s1+$0xFFFFFFC0]  }
0x109: {  	v34 =	vshll.u32 v28, $0x10;
	v28 =	vand.u32 $0xFFFF0000, v28;
	v35 =	vld [tilespmem:s1+$0xFFFFFFD0]  }
0x10a: {  	v37 =	vshll.u32 v30, $0x10;
	v30 =	vand.u32 $0xFFFF0000, v30;
	v36 =	vld [tilespmem:s1+$0xFFFFFFE0]  }
0x10b: {  	v38 =	vld [tilespmem:s1+$0xFFFFFFF0]  }
0x10c: {  	v39 =	vld [tilespmem:s1+$0x0]  }
0x10d: {  	v41 =	vshll.u32 v17, $0x10;
	v34 =	vmul.f32 v34, v32;
	v28 =	vmul.f32 v28, v32;
	v40 =	vld [tilespmem:s1+$0x10]  }
0x10e: {  	v17 =	vand.u32 $0xFFFF0000, v17;
	v41 =	vmul.f32 v41, v19;
	v29 =	vmul.f32 v29, v35;
	v42 =	vld [tilespmem:s1+$0x20]  }
0x10f: {  	v17 =	vmul.f32 v17, v19;
	v21 =	vmul.f32 v21, v35;
	[tilespmem:v9+s22+$0x0] =	vst.idx.add.f32.msk $0xffff, v34  }
0x110: {  	v19 =	vmul.f32 v31, v36;
	v23 =	vmul.f32 v23, v36;
	[tilespmem:v13+s24+$0x0] =	vst.idx.add.f32.msk $0xffff, v41  }
0x111: {  	v27 =	vmul.f32 v27, v38;
	v24 =	vmul.f32 v24, v38;
	[tilespmem:v13+s25+$0x0] =	vst.idx.add.f32.msk $0xffff, v17  }
0x112: {  	v13 =	vmul.f32 v16, v39;
	v16 =	vmul.f32 v25, v39;
	[tilespmem:v9+s23+$0x0] =	vst.idx.add.f32.msk $0xffff, v28  }
0x113: {  	v17 =	vmul.f32 v33, v40;
	v25 =	vmul.f32 v26, v40;
	[tilespmem:v8+s22+$0x0] =	vst.idx.add.f32.msk $0xffff, v29  }
0x114: {  	v26 =	vmul.f32 v30, v42;
	[tilespmem:v8+s23+$0x0] =	vst.idx.add.f32.msk $0xffff, v21;
	v21 =	vmul.f32 v37, v42  }
0x115: {  	[tilespmem:v7+s22+$0x0] =	vst.idx.add.f32.msk $0xffff, v19  }
0x116: {  	[tilespmem:v7+s23+$0x0] =	vst.idx.add.f32.msk $0xffff, v23  }
0x117: {  	[tilespmem:v6+s22+$0x0] =	vst.idx.add.f32.msk $0xffff, v27  }
0x118: {  	[tilespmem:v6+s23+$0x0] =	vst.idx.add.f32.msk $0xffff, v24  }
0x119: {  	[tilespmem:v4+s22+$0x0] =	vst.idx.add.f32.msk $0xffff, v13  }
0x11a: {  	[tilespmem:v4+s23+$0x0] =	vst.idx.add.f32.msk $0xffff, v16  }
0x11b: {  	[tilespmem:v1+s22+$0x0] =	vst.idx.add.f32.msk $0xffff, v17  }
0x11c: {  	[tilespmem:v1+s23+$0x0] =	vst.idx.add.f32.msk $0xffff, v25  }
0x11d: {  	[tilespmem:v10+s22+$0x0] =	vst.idx.add.f32.msk $0xffff, v21  }
0x11e: {  	[tilespmem:v10+s23+$0x0] =	vst.idx.add.f32.msk $0xffff, v26  }
0x11f: {  	v13 =	vld.idx.msk [tilespmem:v18+s19+$0x0], $0xffff  }
0x120: {  	v11 =	vld.idx.msk [tilespmem:v11+s19+$0x0], $0xffff  }
0x121: {  	v12 =	vld.idx.msk [tilespmem:v12+s19+$0x0], $0xffff  }
0x122: {  	v16 =	vld.idx.msk [tilespmem:v20+s19+$0x0], $0xffff  }
0x123: {  	v14 =	vld.idx.msk [tilespmem:v14+s19+$0x0], $0xffff  }
0x124: {  	v15 =	vld.idx.msk [tilespmem:v15+s19+$0x0], $0xffff  }
0x125: {  	v17 =	vshll.u32 v13, $0x10;
	v13 =	vand.u32 $0xFFFF0000, v13;
	v18 =	vld.idx.msk [tilespmem:v22+s19+$0x0], $0xffff  }
0x126: {  	v17 =	vmul.f32 v17, v32;
	v19 =	vshll.u32 v11, $0x10;
	v11 =	vand.u32 $0xFFFF0000, v11;
	[tilespmem:v2+s24+$0x0] =	vst.idx.add.f32.msk $0xffff, v5  }
0x127: {  	v5 =	vmul.f32 v13, v32;
	v13 =	vshll.u32 v12, $0x10;
	v12 =	vand.u32 $0xFFFF0000, v12;
	[tilespmem:v2+s25+$0x0] =	vst.idx.add.f32.msk $0xffff, v3;
	v2 =	vmovc v10  }
0x128: {  	v3 =	vmul.f32 v19, v35;
	v10 =	vshll.u32 v16, $0x10;
	v16 =	vand.u32 $0xFFFF0000, v16;
	[tilespmem:v9+s24+$0x0] =	vst.idx.add.f32.msk $0xffff, v17  }
0x129: {  	[tilespmem:v9+s25+$0x0] =	vst.idx.add.f32.msk $0xffff, v5;
	v5 =	vmul.f32 v11, v35;
	v9 =	vshll.u32 v14, $0x10;
	v11 =	vand.u32 $0xFFFF0000, v14  }
0x12a: {  	v14 =	vand.u32 $0xFFFF0000, v15;
	[tilespmem:v8+s24+$0x0] =	vst.idx.add.f32.msk $0xffff, v3;
	v3 =	vmul.f32 v13, v36;
	v13 =	vshll.u32 v15, $0x10  }
0x12b: {  	[tilespmem:v8+s25+$0x0] =	vst.idx.add.f32.msk $0xffff, v5;
	v5 =	vmul.f32 v12, v36;
	v8 =	vshll.u32 v18, $0x10;
	v12 =	vand.u32 $0xFFFF0000, v18  }
0x12c: {  	v15 =	vmul.f32 v16, v38;
	[tilespmem:v7+s24+$0x0] =	vst.idx.add.f32.msk $0xffff, v3;
	v3 =	vmul.f32 v10, v38  }
.Ltmp13:
0x12d: {  	v11 =	vmul.f32 v11, v39;
	[tilespmem:v7+s25+$0x0] =	vst.idx.add.f32.msk $0xffff, v5;
	v7 =	vmul.f32 v9, v39;
	(pc) =	sbr.rel @p0 .LBB2_17-.Ltmp13, $4  }
0x12e: {  	v10 =	vmul.f32 v13, v40;
	v9 =	vmul.f32 v14, v40;
	[tilespmem:v6+s24+$0x0] =	vst.idx.add.f32.msk $0xffff, v3  }
0x12f: {  	v5 =	vmul.f32 v8, v42;
	v3 =	vmul.f32 v12, v42;
	[tilespmem:v6+s25+$0x0] =	vst.idx.add.f32.msk $0xffff, v15  }
0x130: {  	[tilespmem:v4+s24+$0x0] =	vst.idx.add.f32.msk $0xffff, v7  }
0x131: {  	s3 =	sadd.s32 $0x80, s3;
	[tilespmem:v4+s25+$0x0] =	vst.idx.add.f32.msk $0xffff, v11  }
0x132: {  	_ =	sdelay $0x2  }
.Ltmp14:
0x133: {  	_ = 	snop;
	(pc) =	sbr.rel .LBB2_22-.Ltmp14, $4  }
0x134: {  	[tilespmem:v1+s24+$0x0] =	vst.idx.add.f32.msk $0xffff, v10  }
0x135: {  	[tilespmem:v2+s24+$0x0] =	vst.idx.add.f32.msk $0xffff, v5  }
0x136: {  	[tilespmem:v1+s25+$0x0] =	vst.idx.add.f32.msk $0xffff, v9  }
0x137: {  	[tilespmem:v2+s25+$0x0] =	vst.idx.add.f32.msk $0xffff, v3  }
.LBB2_19:
0x138: {  	_ =	swait.ge [sflag:s26], $0x4E80  }
0x139: {  	[sflag:s26] =	ssyncset.done $0x0  }
0x13a: {  	[sflag:s26] =	ssyncadd.s32 $0xFFFFB180  }
0x13b: {  	_ =	swait.ge [sflag:s26], $0x4E80  }
0x13c: {  	[sflag:s26] =	ssyncset.done $0x0  }
0x13d: {  	s1 =	simm.s32 $0x40;
	[sflag:s26] =	ssyncadd.s32 $0xFFFFB180  }
0x13e: {  	v1 =	vld [tilespmem:s1+$0x30]  }
0x13f: {  	v2 =	vld [tilespmem:s1+$0xFFFFFFD0]  }
0x140: {  	v3 =	vld [tilespmem:s1+$0xFFFFFFE0]  }
0x141: {  	v4 =	vld [tilespmem:s1+$0xFFFFFFF0]  }
0x142: {  	v5 =	vld [tilespmem:s1+$0x0]  }
0x143: {  	v7 =	vld [tilespmem:s1+$0x10]  }
0x144: {  	v9 =	vld [tilespmem:s1+$0xFFFFFFC0]  }
0x145: {  	v10 =	vld [tilespmem:s1+$0x20];
	s1 =	simm.s32 $0x4040;
	v6 =	vshrl.u32 v1, $0xB  }
0x146: {  	v18 =	vld [tilespmem:s1+$0x30]  }
0x147: {  	v53 =	vld [tilespmem:s1+$0xFFFFFFC0]  }
0x148: {  	v54 =	vld [tilespmem:s1+$0xFFFFFFD0]  }
0x149: {  	v27 =	vld [tilespmem:s1+$0xFFFFFFE0]  }
0x14a: {  	v8 =	vshrl.u32 v2, $0xB;
	v14 =	vld.idx.msk [tilespmem:v6+s28+$0x0], $0xffff  }
0x14b: {  	v28 =	vld [tilespmem:s1+$0xFFFFFFF0];
	v12 =	vshrl.u32 v4, $0xB  }
0x14c: {  	v30 =	vld [tilespmem:s1+$0x0];
	v17 =	vshrl.u32 v9, $0xB  }
0x14d: {  	v31 =	vld [tilespmem:s1+$0x10];
	v1 =	vand.u32 $0x7FF, v1  }
0x14e: {  	v34 =	vld [tilespmem:s1+$0x20]  }
0x14f: {  	v16 =	vld.idx.msk [tilespmem:v8+s28+$0x0], $0xffff;
	v24 =	vshll.u32 v14, $0x10  }
0x150: {  	v11 =	vshrl.u32 v3, $0xB;
	v21 =	vld.idx.msk [tilespmem:v12+s28+$0x0], $0xffff;
	v14 =	vand.u32 $0xFFFF0000, v14;
	v24 =	vmul.f32 v24, v18  }
0x151: {  	v13 =	vshrl.u32 v5, $0xB;
	v25 =	vld.idx.msk [tilespmem:v17+s28+$0x0], $0xffff;
	v14 =	vmul.f32 v14, v18  }
0x152: {  	v15 =	vshrl.u32 v7, $0xB;
	[tilespmem:v1+s22+$0x0] =	vst.idx.add.f32.msk $0xffff, v24  }
0x153: {  	v19 =	vshrl.u32 v10, $0xB;
	[tilespmem:v1+s23+$0x0] =	vst.idx.add.f32.msk $0xffff, v14  }
0x154: {  	v9 =	vand.u32 $0x7FF, v9;
	v6 =	vld.idx.msk [tilespmem:v6+s29+$0x0], $0xffff  }
0x155: {  	v33 =	vand.u32 $0x7FF, v2;
	v20 =	vld.idx.msk [tilespmem:v11+s28+$0x0], $0xffff  }
0x156: {  	v4 =	vand.u32 $0x7FF, v4;
	v22 =	vld.idx.msk [tilespmem:v13+s28+$0x0], $0xffff;
	v29 =	vshll.u32 v25, $0x10  }
0x157: {  	v23 =	vld.idx.msk [tilespmem:v15+s28+$0x0], $0xffff;
	v55 =	vshll.u32 v16, $0x10;
	v29 =	vmul.f32 v29, v53  }
0x158: {  	v57 =	vand.u32 $0x7FF, v5;
	v26 =	vld.idx.msk [tilespmem:v19+s28+$0x0], $0xffff;
	v5 =	vshll.u32 v21, $0x10;
	v56 =	vmul.f32 v55, v54  }
0x159: {  	v5 =	vmul.f32 v5, v28;
	[tilespmem:v9+s22+$0x0] =	vst.idx.add.f32.msk $0xffff, v29;
	v32 =	vshll.u32 v6, $0x10  }
0x15a: {  	[tilespmem:v33+s22+$0x0] =	vst.idx.add.f32.msk $0xffff, v56;
	v2 =	vand.u32 $0xFFFF0000, v6;
	v6 =	vmul.f32 v32, v18  }
0x15b: {  	v3 =	vand.u32 $0x7FF, v3;
	v25 =	vand.u32 $0xFFFF0000, v25;
	[tilespmem:v4+s22+$0x0] =	vst.idx.add.f32.msk $0xffff, v5;
	v2 =	vmul.f32 v2, v18  }
0x15c: {  	v25 =	vmul.f32 v25, v53;
	[tilespmem:v1+s24+$0x0] =	vst.idx.add.f32.msk $0xffff, v6;
	v6 =	vand.u32 $0xFFFF0000, v16  }
0x15d: {  	[tilespmem:v1+s25+$0x0] =	vst.idx.add.f32.msk $0xffff, v2;
	v1 =	vshll.u32 v20, $0x10;
	v2 =	vmul.f32 v6, v54  }
0x15e: {  	[tilespmem:v9+s23+$0x0] =	vst.idx.add.f32.msk $0xffff, v25;
	v6 =	vand.u32 $0xFFFF0000, v20;
	v1 =	vmul.f32 v1, v27  }
0x15f: {  	v6 =	vmul.f32 v6, v27;
	[tilespmem:v33+s23+$0x0] =	vst.idx.add.f32.msk $0xffff, v2;
	v2 =	vand.u32 $0xFFFF0000, v21  }
0x160: {  	[tilespmem:v3+s22+$0x0] =	vst.idx.add.f32.msk $0xffff, v1;
	v1 =	vand.u32 $0x7FF, v7;
	v7 =	vshll.u32 v22, $0x10;
	v58 =	vmul.f32 v2, v28  }
0x161: {  	[tilespmem:v3+s23+$0x0] =	vst.idx.add.f32.msk $0xffff, v6;
	v6 =	vand.u32 $0xFFFF0000, v22;
	v7 =	vmul.f32 v7, v30  }
0x162: {  	v2 =	vand.u32 $0x7FF, v10;
	v6 =	vmul.f32 v6, v30;
	[tilespmem:v4+s23+$0x0] =	vst.idx.add.f32.msk $0xffff, v58  }
0x163: {  	v5 =	vshll.u32 v23, $0x10;
	[tilespmem:v57+s22+$0x0] =	vst.idx.add.f32.msk $0xffff, v7  }
0x164: {  	v5 =	vmul.f32 v5, v31;
	v7 =	vshll.u32 v26, $0x10;
	[tilespmem:v57+s23+$0x0] =	vst.idx.add.f32.msk $0xffff, v6  }
0x165: {  	v6 =	vmul.f32 v7, v34;
	v7 =	vld.idx.msk [tilespmem:v11+s29+$0x0], $0xffff  }
0x166: {  	[tilespmem:v1+s22+$0x0] =	vst.idx.add.f32.msk $0xffff, v5;
	v5 =	vand.u32 $0xFFFF0000, v26  }
0x167: {  	v5 =	vmul.f32 v5, v34;
	[tilespmem:v2+s22+$0x0] =	vst.idx.add.f32.msk $0xffff, v6  }
0x168: {  	v10 =	vand.u32 $0xFFFF0000, v23;
	v6 =	vld.idx.msk [tilespmem:v17+s29+$0x0], $0xffff  }
0x169: {  	v10 =	vmul.f32 v10, v31;
	[tilespmem:v2+s23+$0x0] =	vst.idx.add.f32.msk $0xffff, v5  }
0x16a: {  	v5 =	vld.idx.msk [tilespmem:v8+s29+$0x0], $0xffff  }
0x16b: {  	[tilespmem:v1+s23+$0x0] =	vst.idx.add.f32.msk $0xffff, v10  }
0x16c: {  	v10 =	vld.idx.msk [tilespmem:v13+s29+$0x0], $0xffff  }
0x16d: {  	v59 =	vld.idx.msk [tilespmem:v15+s29+$0x0], $0xffff;
	v11 =	vshll.u32 v6, $0x10  }
0x16e: {  	v8 =	vld.idx.msk [tilespmem:v12+s29+$0x0], $0xffff;
	v6 =	vand.u32 $0xFFFF0000, v6;
	v11 =	vmul.f32 v11, v53  }
0x16f: {  	v60 =	vld.idx.msk [tilespmem:v19+s29+$0x0], $0xffff;
	v6 =	vmul.f32 v6, v53;
	v61 =	vshll.u32 v5, $0x10  }
0x170: {  	v5 =	vand.u32 $0xFFFF0000, v5;
	[tilespmem:v9+s24+$0x0] =	vst.idx.add.f32.msk $0xffff, v11;
	v11 =	vmul.f32 v61, v54  }
0x171: {  	v62 =	vshll.u32 v7, $0x10;
	v5 =	vmul.f32 v5, v54;
	[tilespmem:v9+s25+$0x0] =	vst.idx.add.f32.msk $0xffff, v6  }
0x172: {  	v6 =	vand.u32 $0xFFFF0000, v7;
	v7 =	vmul.f32 v62, v27;
	[tilespmem:v33+s24+$0x0] =	vst.idx.add.f32.msk $0xffff, v11  }
0x173: {  	v9 =	vshll.u32 v8, $0x10;
	[tilespmem:v33+s25+$0x0] =	vst.idx.add.f32.msk $0xffff, v5;
	v5 =	vmul.f32 v6, v27  }
0x174: {  	v6 =	vand.u32 $0xFFFF0000, v8;
	[tilespmem:v3+s24+$0x0] =	vst.idx.add.f32.msk $0xffff, v7;
	v7 =	vmul.f32 v9, v28  }
0x175: {  	v8 =	vshll.u32 v10, $0x10;
	v6 =	vmul.f32 v6, v28;
	[tilespmem:v3+s25+$0x0] =	vst.idx.add.f32.msk $0xffff, v5  }
0x176: {  	v11 =	vshll.u32 v60, $0x10;
	v8 =	vmul.f32 v8, v30;
	v3 =	vand.u32 $0xFFFF0000, v10;
	[tilespmem:v4+s24+$0x0] =	vst.idx.add.f32.msk $0xffff, v7  }
0x177: {  	v5 =	vshll.u32 v59, $0x10;
	v7 =	vand.u32 $0xFFFF0000, v59;
	v63 =	vmul.f32 v3, v30;
	[tilespmem:v4+s25+$0x0] =	vst.idx.add.f32.msk $0xffff, v6  }
0x178: {  	v3 =	vand.u32 $0xFFFF0000, v60;
	v10 =	vmul.f32 v5, v31;
	v9 =	vmul.f32 v7, v31;
	[tilespmem:v57+s24+$0x0] =	vst.idx.add.f32.msk $0xffff, v8  }
0x179: {  	s15 =	simm.s32 $0x0;
	s3 =	simm.s32 $0xC0;
	v5 =	vmul.f32 v11, v34;
	v3 =	vmul.f32 v3, v34;
	[tilespmem:v57+s25+$0x0] =	vst.idx.add.f32.msk $0xffff, v63  }
.LBB2_20:
0x17a: {  	v13 =	vld [tilespmem:s3+$0x30]  }
0x17b: {  	v4 =	vld [tilespmem:s3+$0xFFFFFFD0]  }
0x17c: {  	s15 =	sadd.s32 $0x80, s15;
	v6 =	vld [tilespmem:s3+$0xFFFFFFE0]  }
0x17d: {  	p0 =	slt.u32 s15, $0x3F80;
	v14 =	vld [tilespmem:s3+$0xFFFFFFF0]  }
0x17e: {  	v15 =	vld [tilespmem:s3+$0x0]  }
0x17f: {  	v16 =	vld [tilespmem:s3+$0x10];
	v17 =	vshrl.u32 v13, $0xB  }
0x180: {  	v11 =	vshrl.u32 v4, $0xB;
	v8 =	vand.u32 $0x7FF, v4;
	v18 =	vld [tilespmem:s3+$0x20]  }
0x181: {  	v19 =	vld [tilespmem:s3+$0xFFFFFFC0];
	v12 =	vshrl.u32 v6, $0xB;
	v7 =	vand.u32 $0x7FF, v6  }
0x182: {  	v20 =	vshrl.u32 v14, $0xB;
	v6 =	vand.u32 $0x7FF, v14;
	[tilespmem:v1+s24+$0x0] =	vst.idx.add.f32.msk $0xffff, v10  }
0x183: {  	v14 =	vshrl.u32 v15, $0xB;
	v4 =	vand.u32 $0x7FF, v15;
	[tilespmem:v1+s25+$0x0] =	vst.idx.add.f32.msk $0xffff, v9  }
0x184: {  	v15 =	vshrl.u32 v16, $0xB;
	v1 =	vand.u32 $0x7FF, v16;
	v16 =	vld.idx.msk [tilespmem:v17+s28+$0x0], $0xffff  }
0x185: {  	s1 =	sadd.s32 $0x80, s1;
	v21 =	vld.idx.msk [tilespmem:v11+s28+$0x0], $0xffff;
	v22 =	vshrl.u32 v18, $0xB;
	v10 =	vand.u32 $0x7FF, v18  }
0x186: {  	v18 =	vshrl.u32 v19, $0xB;
	v9 =	vand.u32 $0x7FF, v19;
	v19 =	vld [tilespmem:s1+$0x30]  }
0x187: {  	v23 =	vld.idx.msk [tilespmem:v12+s28+$0x0], $0xffff  }
0x188: {  	v13 =	vand.u32 $0x7FF, v13;
	v24 =	vld.idx.msk [tilespmem:v20+s28+$0x0], $0xffff  }
0x189: {  	v25 =	vld.idx.msk [tilespmem:v14+s28+$0x0], $0xffff  }
0x18a: {  	v27 =	vshll.u32 v16, $0x10;
	v26 =	vld.idx.msk [tilespmem:v15+s28+$0x0], $0xffff  }
0x18b: {  	v16 =	vand.u32 $0xFFFF0000, v16;
	v29 =	vshll.u32 v21, $0x10;
	v28 =	vld.idx.msk [tilespmem:v18+s28+$0x0], $0xffff;
	v27 =	vmul.f32 v27, v19  }
0x18c: {  	v21 =	vand.u32 $0xFFFF0000, v21;
	v16 =	vmul.f32 v16, v19;
	v30 =	vld.idx.msk [tilespmem:v22+s28+$0x0], $0xffff  }
0x18d: {  	v31 =	vshll.u32 v23, $0x10;
	v23 =	vand.u32 $0xFFFF0000, v23;
	[tilespmem:v13+s22+$0x0] =	vst.idx.add.f32.msk $0xffff, v27  }
0x18e: {  	v27 =	vshll.u32 v24, $0x10;
	v24 =	vand.u32 $0xFFFF0000, v24;
	[tilespmem:v13+s23+$0x0] =	vst.idx.add.f32.msk $0xffff, v16  }
0x18f: {  	v16 =	vshll.u32 v25, $0x10;
	v25 =	vand.u32 $0xFFFF0000, v25;
	v17 =	vld.idx.msk [tilespmem:v17+s29+$0x0], $0xffff  }
0x190: {  	v33 =	vshll.u32 v26, $0x10;
	v26 =	vand.u32 $0xFFFF0000, v26;
	v32 =	vld [tilespmem:s1+$0xFFFFFFC0]  }
0x191: {  	v34 =	vshll.u32 v28, $0x10;
	v28 =	vand.u32 $0xFFFF0000, v28;
	v35 =	vld [tilespmem:s1+$0xFFFFFFD0]  }
0x192: {  	v37 =	vshll.u32 v30, $0x10;
	v30 =	vand.u32 $0xFFFF0000, v30;
	v36 =	vld [tilespmem:s1+$0xFFFFFFE0]  }
0x193: {  	v38 =	vld [tilespmem:s1+$0xFFFFFFF0]  }
0x194: {  	v39 =	vld [tilespmem:s1+$0x0]  }
0x195: {  	v41 =	vshll.u32 v17, $0x10;
	v34 =	vmul.f32 v34, v32;
	v28 =	vmul.f32 v28, v32;
	v40 =	vld [tilespmem:s1+$0x10]  }
0x196: {  	v17 =	vand.u32 $0xFFFF0000, v17;
	v41 =	vmul.f32 v41, v19;
	v29 =	vmul.f32 v29, v35;
	v42 =	vld [tilespmem:s1+$0x20]  }
0x197: {  	v17 =	vmul.f32 v17, v19;
	v21 =	vmul.f32 v21, v35;
	[tilespmem:v9+s22+$0x0] =	vst.idx.add.f32.msk $0xffff, v34  }
0x198: {  	v19 =	vmul.f32 v31, v36;
	v23 =	vmul.f32 v23, v36;
	[tilespmem:v13+s24+$0x0] =	vst.idx.add.f32.msk $0xffff, v41  }
0x199: {  	v27 =	vmul.f32 v27, v38;
	v24 =	vmul.f32 v24, v38;
	[tilespmem:v13+s25+$0x0] =	vst.idx.add.f32.msk $0xffff, v17  }
0x19a: {  	v13 =	vmul.f32 v16, v39;
	v16 =	vmul.f32 v25, v39;
	[tilespmem:v9+s23+$0x0] =	vst.idx.add.f32.msk $0xffff, v28  }
0x19b: {  	v17 =	vmul.f32 v33, v40;
	v25 =	vmul.f32 v26, v40;
	[tilespmem:v8+s22+$0x0] =	vst.idx.add.f32.msk $0xffff, v29  }
0x19c: {  	v26 =	vmul.f32 v30, v42;
	[tilespmem:v8+s23+$0x0] =	vst.idx.add.f32.msk $0xffff, v21;
	v21 =	vmul.f32 v37, v42  }
0x19d: {  	[tilespmem:v7+s22+$0x0] =	vst.idx.add.f32.msk $0xffff, v19  }
0x19e: {  	[tilespmem:v7+s23+$0x0] =	vst.idx.add.f32.msk $0xffff, v23  }
0x19f: {  	[tilespmem:v6+s22+$0x0] =	vst.idx.add.f32.msk $0xffff, v27  }
0x1a0: {  	[tilespmem:v6+s23+$0x0] =	vst.idx.add.f32.msk $0xffff, v24  }
0x1a1: {  	[tilespmem:v4+s22+$0x0] =	vst.idx.add.f32.msk $0xffff, v13  }
0x1a2: {  	[tilespmem:v4+s23+$0x0] =	vst.idx.add.f32.msk $0xffff, v16  }
0x1a3: {  	[tilespmem:v1+s22+$0x0] =	vst.idx.add.f32.msk $0xffff, v17  }
0x1a4: {  	[tilespmem:v1+s23+$0x0] =	vst.idx.add.f32.msk $0xffff, v25  }
0x1a5: {  	[tilespmem:v10+s22+$0x0] =	vst.idx.add.f32.msk $0xffff, v21  }
0x1a6: {  	[tilespmem:v10+s23+$0x0] =	vst.idx.add.f32.msk $0xffff, v26  }
0x1a7: {  	v13 =	vld.idx.msk [tilespmem:v18+s29+$0x0], $0xffff  }
0x1a8: {  	v11 =	vld.idx.msk [tilespmem:v11+s29+$0x0], $0xffff  }
0x1a9: {  	v12 =	vld.idx.msk [tilespmem:v12+s29+$0x0], $0xffff  }
0x1aa: {  	v16 =	vld.idx.msk [tilespmem:v20+s29+$0x0], $0xffff  }
0x1ab: {  	v14 =	vld.idx.msk [tilespmem:v14+s29+$0x0], $0xffff  }
0x1ac: {  	v15 =	vld.idx.msk [tilespmem:v15+s29+$0x0], $0xffff  }
0x1ad: {  	v17 =	vshll.u32 v13, $0x10;
	v13 =	vand.u32 $0xFFFF0000, v13;
	v18 =	vld.idx.msk [tilespmem:v22+s29+$0x0], $0xffff  }
0x1ae: {  	v17 =	vmul.f32 v17, v32;
	v19 =	vshll.u32 v11, $0x10;
	v11 =	vand.u32 $0xFFFF0000, v11;
	[tilespmem:v2+s24+$0x0] =	vst.idx.add.f32.msk $0xffff, v5  }
0x1af: {  	v5 =	vmul.f32 v13, v32;
	v13 =	vshll.u32 v12, $0x10;
	v12 =	vand.u32 $0xFFFF0000, v12;
	[tilespmem:v2+s25+$0x0] =	vst.idx.add.f32.msk $0xffff, v3;
	v2 =	vmovc v10  }
0x1b0: {  	v3 =	vmul.f32 v19, v35;
	v10 =	vshll.u32 v16, $0x10;
	v16 =	vand.u32 $0xFFFF0000, v16;
	[tilespmem:v9+s24+$0x0] =	vst.idx.add.f32.msk $0xffff, v17  }
0x1b1: {  	[tilespmem:v9+s25+$0x0] =	vst.idx.add.f32.msk $0xffff, v5;
	v5 =	vmul.f32 v11, v35;
	v9 =	vshll.u32 v14, $0x10;
	v11 =	vand.u32 $0xFFFF0000, v14  }
0x1b2: {  	v14 =	vand.u32 $0xFFFF0000, v15;
	[tilespmem:v8+s24+$0x0] =	vst.idx.add.f32.msk $0xffff, v3;
	v3 =	vmul.f32 v13, v36;
	v13 =	vshll.u32 v15, $0x10  }
0x1b3: {  	[tilespmem:v8+s25+$0x0] =	vst.idx.add.f32.msk $0xffff, v5;
	v5 =	vmul.f32 v12, v36;
	v8 =	vshll.u32 v18, $0x10;
	v12 =	vand.u32 $0xFFFF0000, v18  }
0x1b4: {  	v15 =	vmul.f32 v16, v38;
	[tilespmem:v7+s24+$0x0] =	vst.idx.add.f32.msk $0xffff, v3;
	v3 =	vmul.f32 v10, v38  }
.Ltmp15:
0x1b5: {  	v11 =	vmul.f32 v11, v39;
	[tilespmem:v7+s25+$0x0] =	vst.idx.add.f32.msk $0xffff, v5;
	v7 =	vmul.f32 v9, v39;
	(pc) =	sbr.rel @p0 .LBB2_20-.Ltmp15, $4  }
0x1b6: {  	v10 =	vmul.f32 v13, v40;
	v9 =	vmul.f32 v14, v40;
	[tilespmem:v6+s24+$0x0] =	vst.idx.add.f32.msk $0xffff, v3  }
0x1b7: {  	v5 =	vmul.f32 v8, v42;
	v3 =	vmul.f32 v12, v42;
	[tilespmem:v6+s25+$0x0] =	vst.idx.add.f32.msk $0xffff, v15  }
0x1b8: {  	[tilespmem:v4+s24+$0x0] =	vst.idx.add.f32.msk $0xffff, v7  }
0x1b9: {  	s3 =	sadd.s32 $0x80, s3;
	[tilespmem:v4+s25+$0x0] =	vst.idx.add.f32.msk $0xffff, v11  }
0x1ba: {  	_ =	sdelay $0x2  }
.Ltmp16:
0x1bb: {  	_ = 	snop;
	(pc) =	sbr.rel .LBB2_22-.Ltmp16, $4  }
0x1bc: {  	[tilespmem:v1+s24+$0x0] =	vst.idx.add.f32.msk $0xffff, v10  }
0x1bd: {  	[tilespmem:v2+s24+$0x0] =	vst.idx.add.f32.msk $0xffff, v5  }
0x1be: {  	[tilespmem:v1+s25+$0x0] =	vst.idx.add.f32.msk $0xffff, v9  }
0x1bf: {  	[tilespmem:v2+s25+$0x0] =	vst.idx.add.f32.msk $0xffff, v3  }
.LBB2_24:
0x1c0: {  	_ =	sfence.sel $0x180000  }
0x1c1: {  	[bflag:$0x0] =	sbarrier.arrive $0xFFFF  }
0x1c2: {  	_ =	strace $0x90000047  }
0x1c3: {  	s0 =	stileid.u32;
	[bflag:$0x2] =	sbarrier.arrive $0xFFFF  }
0x1c4: {  	p0 =	sne.s32 s0, $0x0;
	s0 =	rddreg [dreg:$0x4]  }
0x1c5: {  	s0 =	sadd.s32 @!p0 $0x100000, s0  }
0x1c6: {  	[sflag:s0] =	ssyncadd.tile.s32 @!p0 $0x1;
	_ =	shalt  }
.Lfunc_end2:
_tile_overlayer_lowered:
.L_overlay_start_2:
0x1c7: {  	(tag) =	ssettag $0x2  }
0x1c8: {  	s0 =	rddreg [dreg:$0x0];
	s2 =	stileid.u32  }
0x1c9: {  	s1 =	rddreg [dreg:$0x1];
	p0 =	sne.s32 s2, $0x0  }
0x1ca: {  	s3 =	rddreg [dreg:$0x2];
	[bflag:$0x3] =	sbarrier.arrive $0xFFFF;
	s2 =	simm.s32 @!p0 $0x1C04  }
0x1cb: {  	[timem:s3], [sflag:s2] =	dma.local @!p0 [hbm:s0], s1  }
0x1cc: {  	s0 =	simm.s32 @!p0 $0x4  }
0x1cd: {  	_ =	swait.ge @!p0 [sflag:s0], s1  }
0x1ce: {  	s1 =	ssub.s32 @!p0 $0x0, s1;
	[sflag:s0] =	ssyncset.done @!p0 $0x0  }
0x1cf: {  	[sflag:s0] =	ssyncadd.s32 @!p0 s1  }
0x1d0: {  	[bflag:$0x3] =	sbarrier.arrive $0xFFFF  }
0x1d1: {  	_ =	shalt  }

</sc_bundles>
